<compile_context>
chip_gen: v7x
topology: tpu7x:2x2x1
jax: 0.10.2.dev20260603
libtpu: 0.0.44.dev20260713+nightly
codegen_flags: <defaults>
</compile_context>

<pallas_src>
import numpy as np
import jax
import jax.numpy as jnp
from jax.experimental import pallas as pl
from jax.experimental.pallas import tpu as pltpu

DIM = 192
WS = 7
KNN = 15
PW = 32
NPTS = PW * PW
C8 = DIM // 8
AUG = 32


def _grid_const():
    gi, gj = np.meshgrid(np.arange(PW, dtype=np.float32),
                         np.arange(PW, dtype=np.float32), indexing="ij")
    grid = np.stack([gi, gj], axis=-1).reshape(NPTS, 2)
    mean = grid.mean(0)
    std = grid.std(0, ddof=1)
    return ((grid - mean) / (std + 1e-5)).astype(np.float32)


_GRID = _grid_const()


def _patch_body(ab_ref, x_ref, wft_ref, add_ref, out_ref):
    x = x_ref[0]
    aug = jnp.dot(x, wft_ref[...], preferred_element_type=jnp.float32) + add_ref[...]
    nrm = jnp.maximum(jnp.sqrt(jnp.sum(aug * aug, axis=1, keepdims=True)), 1e-8)
    xn = aug / nrm
    s = jax.lax.dot_general(xn, xn, (((1,), (1,)), ((), ())),
                            preferred_element_type=jnp.float32)
    alpha = ab_ref[0]
    beta = ab_ref[1]
    work = s
    for _ in range(KNN - 1):
        m = jnp.max(work, axis=1, keepdims=True)
        work = jnp.where(work >= m, -3.0e38, work)
    thr = jnp.max(work, axis=1, keepdims=True)
    keep = s >= thr
    w = 1.0 / (1.0 + jnp.exp(-(beta + alpha * s)))
    e = jnp.where(keep, jnp.exp(w), 0.0)
    p = e / jnp.sum(e, axis=1, keepdims=True)
    out_ref[0] = jnp.dot(p, x, preferred_element_type=jnp.float32)


def kernel(x_in, Wf, bf, edge_alpha, edge_beta):
    B, C, H, Wd = x_in.shape
    xp = (x_in.reshape(B, DIM, WS, PW, WS, PW)
          .transpose(0, 2, 4, 3, 5, 1)
          .reshape(WS * WS, NPTS, DIM))
    wft = jnp.zeros((DIM, AUG), jnp.float32).at[:, :C8].set(Wf.T)
    add = (jnp.zeros((NPTS, AUG), jnp.float32)
           .at[:, :C8].set(bf[None, :])
           .at[:, C8:C8 + 2].set(jnp.asarray(_GRID)))
    ab = jnp.stack([edge_alpha[0], edge_beta[0]])
    out = pl.pallas_call(
        _patch_body,
        grid=(WS * WS,),
        in_specs=[
            pl.BlockSpec(memory_space=pltpu.SMEM),
            pl.BlockSpec((1, NPTS, DIM), lambda i: (i, 0, 0)),
            pl.BlockSpec((DIM, AUG), lambda i: (0, 0)),
            pl.BlockSpec((NPTS, AUG), lambda i: (0, 0)),
        ],
        out_specs=pl.BlockSpec((1, NPTS, DIM), lambda i: (i, 0, 0)),
        out_shape=jax.ShapeDtypeStruct((WS * WS, NPTS, DIM), jnp.float32),
    )(ab, xp, wft, add)
    out = (out.reshape(B, WS, WS, PW, PW, DIM)
           .transpose(0, 5, 1, 3, 2, 4)
           .reshape(B, DIM, H, Wd))
    return out

# --- scband reference (transcript-rebuilt; emitter-appended) ---
"""Pipeline reference for scband-gnnlocal-cluster0-f-6158983102548 (READ-ONLY COPY).

The authoritative reference and input builder live on the scoring server;
editing this copy changes nothing except your own understanding.
"""

import jax, jax.numpy as jnp
import numpy as np

DIM = 192
W_SIZE = 7
K = 15


def setup_inputs(seed: int = 0) -> dict:
    key = jax.random.key(seed)
    k1, k2, k3 = jax.random.split(key, 3)
    x_in = jax.random.normal(k1, (1, DIM, 224, 224), dtype=jnp.float32)
    # f: Conv2d(dim, dim//8, kernel_size=1) -> weight [dim//8, dim], bias [dim//8]
    Wf = jax.random.normal(k2, (DIM // 8, DIM), dtype=jnp.float32) * (1.0 / np.sqrt(DIM))
    bf = jax.random.normal(k3, (DIM // 8,), dtype=jnp.float32) * 0.01
    edge_alpha = jnp.ones((1,), dtype=jnp.float32)
    edge_beta = jnp.zeros((1,), dtype=jnp.float32)
    return {"x_in": x_in, "Wf": Wf, "bf": bf, "edge_alpha": edge_alpha, "edge_beta": edge_beta}


def _scatter_softmax(w, idx, num_segments):
    seg_max = jax.ops.segment_max(w, idx, num_segments=num_segments)
    e = jnp.exp(w - seg_max[idx])
    s = jax.ops.segment_sum(e, idx, num_segments=num_segments)
    return e / s[idx]


def reference(x_in, Wf, bf, edge_alpha, edge_beta):
    B, C, H, Wd = x_in.shape
    Wg = Hg = W_SIZE
    pw = H // Wg
    ph = Wd // Hg
    # rearrange 'b c (Wg w) (Hg h) -> (b Wg Hg) c w h'
    xp = x_in.reshape(B, C, Wg, pw, Hg, ph).transpose(0, 2, 4, 1, 3, 5).reshape(B * Wg * Hg, C, pw, ph)
    # 1x1 conv f
    f = jnp.einsum('bchw,oc->bohw', xp, Wf) + bf[None, :, None, None]
    Bp, C8, Hp, Wp = f.shape
    N = Hp * Wp
    # build_graph_batch
    x_flat = f.reshape(Bp, C8, N).transpose(0, 2, 1)
    gi, gj = jnp.meshgrid(jnp.arange(Hp), jnp.arange(Wp), indexing='ij')
    grid = jnp.stack([gi, gj], axis=-1).astype(jnp.float32).reshape(N, 2)
    grid = (grid - grid.mean(0)) / (jnp.std(grid, axis=0, ddof=1) + 1e-5)
    x_aug = jnp.concatenate([x_flat, jnp.broadcast_to(grid[None], (Bp, N, 2))], axis=-1)
    eps = 1e-8
    norms = jnp.maximum(jnp.linalg.norm(x_aug, axis=-1), eps)
    x_n = x_aug / norms[..., None]
    sim = jnp.einsum('bnd,bmd->bnm', x_n, x_n)  # pairwise cosine similarity
    _, topk_idx = jax.lax.top_k(sim, K)
    row = jnp.broadcast_to(jnp.arange(N)[None, :, None], (Bp, N, K)).reshape(-1)
    col = topk_idx.reshape(-1)
    off = jnp.broadcast_to((jnp.arange(Bp) * N)[:, None, None], (Bp, N, K)).reshape(-1)
    e0 = row + off
    e1 = col + off
    nodes = x_aug.reshape(Bp * N, C8 + 2)
    a = nodes[e0]
    b = nodes[e1]
    na = jnp.maximum(jnp.linalg.norm(a, axis=-1), eps)
    nb = jnp.maximum(jnp.linalg.norm(b, axis=-1), eps)
    cos = jnp.sum(a * b, axis=-1) / (na * nb)
    weights = jax.nn.sigmoid(edge_beta[0] + edge_alpha[0] * cos)
    weights_norm = _scatter_softmax(weights, e0, Bp * N)
    x_patches_flat = xp.reshape(Bp, C, N).transpose(0, 2, 1).reshape(-1, C)
    msg_original = x_patches_flat[e1]
    weighted_msg = msg_original * weights_norm[:, None]
    out_flat = jax.ops.segment_sum(weighted_msg, e0, num_segments=Bp * N)
    out = out_flat.reshape(Bp, Hp, Wp, C).transpose(0, 3, 1, 2)
    # rearrange '(b Wg Hg) c w h -> b c (Wg w) (Hg h)'
    out = out.reshape(B, Wg, Hg, C, Hp, Wp).transpose(0, 3, 1, 4, 2, 5).reshape(B, C, Wg * Hp, Hg * Wp)
    return out

if __name__ == "__main__":
    import jax
    _d = setup_inputs()
    print(jax.jit(kernel)(*tuple(_d.values())))

</pallas_src>

<mosaic_0001>
module attributes {stable_mosaic.version = 14 : i64} {
  func.func @_patch_body(%arg0: i32, %arg1: memref<2xf32, #tpu.memory_space<smem>>, %arg2: memref<1x1024x192xf32, #tpu.memory_space<vmem>>, %arg3: memref<192x32xf32, #tpu.memory_space<vmem>>, %arg4: memref<1024x32xf32, #tpu.memory_space<vmem>>, %arg5: memref<1x1024x192xf32, #tpu.memory_space<vmem>>) attributes {dimension_semantics = [#tpu.dimension_semantics<arbitrary>], iteration_bounds = array<i64: 49>, scalar_prefetch = 0 : i64, scratch_operands = 0 : i64, tpu.core_type = #tpu.core_type<tc>, window_params = [{transform_indices = @transform_0, window_bounds = array<i64: 2>}, {transform_indices = @transform_1, window_bounds = array<i64: 1, 1024, 192>}, {pipeline_mode = #tpu.pipeline_mode<synchronous>, transform_indices = @transform_2, window_bounds = array<i64: 192, 32>}, {pipeline_mode = #tpu.pipeline_mode<synchronous>, transform_indices = @transform_3, window_bounds = array<i64: 1024, 32>}, {transform_indices = @transform_4, window_bounds = array<i64: 1, 1024, 192>}]} {
    %get3A = arith.constant 0 : index
    %get3A_0 = arith.constant 0 : index
    %get3A_1 = arith.constant 0 : index
    %get3A_2 = vector.load %arg2[%get3A, %get3A_0, %get3A_1] : memref<1x1024x192xf32, #tpu.memory_space<vmem>>, vector<1x1024x192xf32>
    %get3A_3 = vector.shape_cast %get3A_2 : vector<1x1024x192xf32> to vector<1024x192xf32>
    %get3A_4 = arith.constant 0 : index
    %get3A_5 = arith.constant 0 : index
    %get3A_6 = vector.load %arg3[%get3A_4, %get3A_5] : memref<192x32xf32, #tpu.memory_space<vmem>>, vector<192x32xf32>
    %dot_general3A = arith.constant dense<0.000000e+00> : vector<1024x32xf32>
    %dot_general3A_7 = tpu.matmul %get3A_3, %get3A_6, %dot_general3A {dimension_numbers = #tpu.dot_dimension_numbers<[1], [0], [0], [1], [0, 0, 1, 1], [], []>, transpose_lhs_hint = false} : vector<1024x192xf32>, vector<192x32xf32>, vector<1024x32xf32> -> vector<1024x32xf32>
    %get3A_8 = arith.constant 0 : index
    %get3A_9 = arith.constant 0 : index
    %get3A_10 = vector.load %arg4[%get3A_8, %get3A_9] : memref<1024x32xf32, #tpu.memory_space<vmem>>, vector<1024x32xf32>
    %add3A = arith.addf %dot_general3A_7, %get3A_10 : vector<1024x32xf32>
    %mul3A = arith.mulf %add3A, %add3A : vector<1024x32xf32>
    %reduce_sum3A = arith.constant dense<0.000000e+00> : vector<1024xf32>
    %reduce_sum3A_11 = vector.multi_reduction <add>, %mul3A, %reduce_sum3A [1] : vector<1024x32xf32> to vector<1024xf32>
    %broadcast_in_dim3A = vector.shape_cast %reduce_sum3A_11 : vector<1024xf32> to vector<1024x1xf32>
    %sqrt3A = math.sqrt %broadcast_in_dim3A : vector<1024x1xf32>
    %max3A = arith.constant 9.99999993E-9 : f32
    %max3A_12 = vector.broadcast %max3A : f32 to vector<1024x1xf32>
    %max3A_13 = arith.maximumf %sqrt3A, %max3A_12 : vector<1024x1xf32>
    %div3A = vector.broadcast %max3A_13 : vector<1024x1xf32> to vector<1024x32xf32>
    %div3A_14 = arith.divf %add3A, %div3A : vector<1024x32xf32>
    %dot_general3A_15 = arith.constant dense<0.000000e+00> : vector<1024x1024xf32>
    %dot_general3A_16 = tpu.matmul %div3A_14, %div3A_14, %dot_general3A_15 {dimension_numbers = #tpu.dot_dimension_numbers<[1], [1], [0], [0], [0, 0, 1, 0], [], []>, transpose_lhs_hint = false} : vector<1024x32xf32>, vector<1024x32xf32>, vector<1024x1024xf32> -> vector<1024x1024xf32>
    %get3A_17 = arith.constant 0 : index
    %get3A_18 = memref.load %arg1[%get3A_17] : memref<2xf32, #tpu.memory_space<smem>>
    %get3A_19 = arith.constant 1 : index
    %get3A_20 = memref.load %arg1[%get3A_19] : memref<2xf32, #tpu.memory_space<smem>>
    %reduce_max3A = arith.constant dense<0xFF800000> : vector<1024xf32>
    %reduce_max3A_21 = vector.multi_reduction <maximumf>, %dot_general3A_16, %reduce_max3A [1] : vector<1024x1024xf32> to vector<1024xf32>
    %broadcast_in_dim3A_22 = vector.shape_cast %reduce_max3A_21 : vector<1024xf32> to vector<1024x1xf32>
    %ge3A = vector.broadcast %broadcast_in_dim3A_22 : vector<1024x1xf32> to vector<1024x1024xf32>
    %ge3A_23 = arith.cmpf oge, %dot_general3A_16, %ge3A : vector<1024x1024xf32>
    %jit3A = arith.constant -3.000000e+38 : f32
    %broadcast_in_dim3A_24 = vector.broadcast %jit3A : f32 to vector<1024x1024xf32>
    %select_n3A = arith.select %ge3A_23, %broadcast_in_dim3A_24, %dot_general3A_16 : vector<1024x1024xi1>, vector<1024x1024xf32>
    %reduce_max3A_25 = arith.constant dense<0xFF800000> : vector<1024xf32>
    %reduce_max3A_26 = vector.multi_reduction <maximumf>, %select_n3A, %reduce_max3A_25 [1] : vector<1024x1024xf32> to vector<1024xf32>
    %broadcast_in_dim3A_27 = vector.shape_cast %reduce_max3A_26 : vector<1024xf32> to vector<1024x1xf32>
    %ge3A_28 = vector.broadcast %broadcast_in_dim3A_27 : vector<1024x1xf32> to vector<1024x1024xf32>
    %ge3A_29 = arith.cmpf oge, %select_n3A, %ge3A_28 : vector<1024x1024xf32>
    %jit3A_30 = arith.constant -3.000000e+38 : f32
    %broadcast_in_dim3A_31 = vector.broadcast %jit3A_30 : f32 to vector<1024x1024xf32>
    %select_n3A_32 = arith.select %ge3A_29, %broadcast_in_dim3A_31, %select_n3A : vector<1024x1024xi1>, vector<1024x1024xf32>
    %reduce_max3A_33 = arith.constant dense<0xFF800000> : vector<1024xf32>
    %reduce_max3A_34 = vector.multi_reduction <maximumf>, %select_n3A_32, %reduce_max3A_33 [1] : vector<1024x1024xf32> to vector<1024xf32>
    %broadcast_in_dim3A_35 = vector.shape_cast %reduce_max3A_34 : vector<1024xf32> to vector<1024x1xf32>
    %ge3A_36 = vector.broadcast %broadcast_in_dim3A_35 : vector<1024x1xf32> to vector<1024x1024xf32>
    %ge3A_37 = arith.cmpf oge, %select_n3A_32, %ge3A_36 : vector<1024x1024xf32>
    %jit3A_38 = arith.constant -3.000000e+38 : f32
    %broadcast_in_dim3A_39 = vector.broadcast %jit3A_38 : f32 to vector<1024x1024xf32>
    %select_n3A_40 = arith.select %ge3A_37, %broadcast_in_dim3A_39, %select_n3A_32 : vector<1024x1024xi1>, vector<1024x1024xf32>
    %reduce_max3A_41 = arith.constant dense<0xFF800000> : vector<1024xf32>
    %reduce_max3A_42 = vector.multi_reduction <maximumf>, %select_n3A_40, %reduce_max3A_41 [1] : vector<1024x1024xf32> to vector<1024xf32>
    %broadcast_in_dim3A_43 = vector.shape_cast %reduce_max3A_42 : vector<1024xf32> to vector<1024x1xf32>
    %ge3A_44 = vector.broadcast %broadcast_in_dim3A_43 : vector<1024x1xf32> to vector<1024x1024xf32>
    %ge3A_45 = arith.cmpf oge, %select_n3A_40, %ge3A_44 : vector<1024x1024xf32>
    %jit3A_46 = arith.constant -3.000000e+38 : f32
    %broadcast_in_dim3A_47 = vector.broadcast %jit3A_46 : f32 to vector<1024x1024xf32>
    %select_n3A_48 = arith.select %ge3A_45, %broadcast_in_dim3A_47, %select_n3A_40 : vector<1024x1024xi1>, vector<1024x1024xf32>
    %reduce_max3A_49 = arith.constant dense<0xFF800000> : vector<1024xf32>
    %reduce_max3A_50 = vector.multi_reduction <maximumf>, %select_n3A_48, %reduce_max3A_49 [1] : vector<1024x1024xf32> to vector<1024xf32>
    %broadcast_in_dim3A_51 = vector.shape_cast %reduce_max3A_50 : vector<1024xf32> to vector<1024x1xf32>
    %ge3A_52 = vector.broadcast %broadcast_in_dim3A_51 : vector<1024x1xf32> to vector<1024x1024xf32>
    %ge3A_53 = arith.cmpf oge, %select_n3A_48, %ge3A_52 : vector<1024x1024xf32>
    %jit3A_54 = arith.constant -3.000000e+38 : f32
    %broadcast_in_dim3A_55 = vector.broadcast %jit3A_54 : f32 to vector<1024x1024xf32>
    %select_n3A_56 = arith.select %ge3A_53, %broadcast_in_dim3A_55, %select_n3A_48 : vector<1024x1024xi1>, vector<1024x1024xf32>
    %reduce_max3A_57 = arith.constant dense<0xFF800000> : vector<1024xf32>
    %reduce_max3A_58 = vector.multi_reduction <maximumf>, %select_n3A_56, %reduce_max3A_57 [1] : vector<1024x1024xf32> to vector<1024xf32>
    %broadcast_in_dim3A_59 = vector.shape_cast %reduce_max3A_58 : vector<1024xf32> to vector<1024x1xf32>
    %ge3A_60 = vector.broadcast %broadcast_in_dim3A_59 : vector<1024x1xf32> to vector<1024x1024xf32>
    %ge3A_61 = arith.cmpf oge, %select_n3A_56, %ge3A_60 : vector<1024x1024xf32>
    %jit3A_62 = arith.constant -3.000000e+38 : f32
    %broadcast_in_dim3A_63 = vector.broadcast %jit3A_62 : f32 to vector<1024x1024xf32>
    %select_n3A_64 = arith.select %ge3A_61, %broadcast_in_dim3A_63, %select_n3A_56 : vector<1024x1024xi1>, vector<1024x1024xf32>
    %reduce_max3A_65 = arith.constant dense<0xFF800000> : vector<1024xf32>
    %reduce_max3A_66 = vector.multi_reduction <maximumf>, %select_n3A_64, %reduce_max3A_65 [1] : vector<1024x1024xf32> to vector<1024xf32>
    %broadcast_in_dim3A_67 = vector.shape_cast %reduce_max3A_66 : vector<1024xf32> to vector<1024x1xf32>
    %ge3A_68 = vector.broadcast %broadcast_in_dim3A_67 : vector<1024x1xf32> to vector<1024x1024xf32>
    %ge3A_69 = arith.cmpf oge, %select_n3A_64, %ge3A_68 : vector<1024x1024xf32>
    %jit3A_70 = arith.constant -3.000000e+38 : f32
    %broadcast_in_dim3A_71 = vector.broadcast %jit3A_70 : f32 to vector<1024x1024xf32>
    %select_n3A_72 = arith.select %ge3A_69, %broadcast_in_dim3A_71, %select_n3A_64 : vector<1024x1024xi1>, vector<1024x1024xf32>
    %reduce_max3A_73 = arith.constant dense<0xFF800000> : vector<1024xf32>
    %reduce_max3A_74 = vector.multi_reduction <maximumf>, %select_n3A_72, %reduce_max3A_73 [1] : vector<1024x1024xf32> to vector<1024xf32>
    %broadcast_in_dim3A_75 = vector.shape_cast %reduce_max3A_74 : vector<1024xf32> to vector<1024x1xf32>
    %ge3A_76 = vector.broadcast %broadcast_in_dim3A_75 : vector<1024x1xf32> to vector<1024x1024xf32>
    %ge3A_77 = arith.cmpf oge, %select_n3A_72, %ge3A_76 : vector<1024x1024xf32>
    %jit3A_78 = arith.constant -3.000000e+38 : f32
    %broadcast_in_dim3A_79 = vector.broadcast %jit3A_78 : f32 to vector<1024x1024xf32>
    %select_n3A_80 = arith.select %ge3A_77, %broadcast_in_dim3A_79, %select_n3A_72 : vector<1024x1024xi1>, vector<1024x1024xf32>
    %reduce_max3A_81 = arith.constant dense<0xFF800000> : vector<1024xf32>
    %reduce_max3A_82 = vector.multi_reduction <maximumf>, %select_n3A_80, %reduce_max3A_81 [1] : vector<1024x1024xf32> to vector<1024xf32>
    %broadcast_in_dim3A_83 = vector.shape_cast %reduce_max3A_82 : vector<1024xf32> to vector<1024x1xf32>
    %ge3A_84 = vector.broadcast %broadcast_in_dim3A_83 : vector<1024x1xf32> to vector<1024x1024xf32>
    %ge3A_85 = arith.cmpf oge, %select_n3A_80, %ge3A_84 : vector<1024x1024xf32>
    %jit3A_86 = arith.constant -3.000000e+38 : f32
    %broadcast_in_dim3A_87 = vector.broadcast %jit3A_86 : f32 to vector<1024x1024xf32>
    %select_n3A_88 = arith.select %ge3A_85, %broadcast_in_dim3A_87, %select_n3A_80 : vector<1024x1024xi1>, vector<1024x1024xf32>
    %reduce_max3A_89 = arith.constant dense<0xFF800000> : vector<1024xf32>
    %reduce_max3A_90 = vector.multi_reduction <maximumf>, %select_n3A_88, %reduce_max3A_89 [1] : vector<1024x1024xf32> to vector<1024xf32>
    %broadcast_in_dim3A_91 = vector.shape_cast %reduce_max3A_90 : vector<1024xf32> to vector<1024x1xf32>
    %ge3A_92 = vector.broadcast %broadcast_in_dim3A_91 : vector<1024x1xf32> to vector<1024x1024xf32>
    %ge3A_93 = arith.cmpf oge, %select_n3A_88, %ge3A_92 : vector<1024x1024xf32>
    %jit3A_94 = arith.constant -3.000000e+38 : f32
    %broadcast_in_dim3A_95 = vector.broadcast %jit3A_94 : f32 to vector<1024x1024xf32>
    %select_n3A_96 = arith.select %ge3A_93, %broadcast_in_dim3A_95, %select_n3A_88 : vector<1024x1024xi1>, vector<1024x1024xf32>
    %reduce_max3A_97 = arith.constant dense<0xFF800000> : vector<1024xf32>
    %reduce_max3A_98 = vector.multi_reduction <maximumf>, %select_n3A_96, %reduce_max3A_97 [1] : vector<1024x1024xf32> to vector<1024xf32>
    %broadcast_in_dim3A_99 = vector.shape_cast %reduce_max3A_98 : vector<1024xf32> to vector<1024x1xf32>
    %ge3A_100 = vector.broadcast %broadcast_in_dim3A_99 : vector<1024x1xf32> to vector<1024x1024xf32>
    %ge3A_101 = arith.cmpf oge, %select_n3A_96, %ge3A_100 : vector<1024x1024xf32>
    %jit3A_102 = arith.constant -3.000000e+38 : f32
    %broadcast_in_dim3A_103 = vector.broadcast %jit3A_102 : f32 to vector<1024x1024xf32>
    %select_n3A_104 = arith.select %ge3A_101, %broadcast_in_dim3A_103, %select_n3A_96 : vector<1024x1024xi1>, vector<1024x1024xf32>
    %reduce_max3A_105 = arith.constant dense<0xFF800000> : vector<1024xf32>
    %reduce_max3A_106 = vector.multi_reduction <maximumf>, %select_n3A_104, %reduce_max3A_105 [1] : vector<1024x1024xf32> to vector<1024xf32>
    %broadcast_in_dim3A_107 = vector.shape_cast %reduce_max3A_106 : vector<1024xf32> to vector<1024x1xf32>
    %ge3A_108 = vector.broadcast %broadcast_in_dim3A_107 : vector<1024x1xf32> to vector<1024x1024xf32>
    %ge3A_109 = arith.cmpf oge, %select_n3A_104, %ge3A_108 : vector<1024x1024xf32>
    %jit3A_110 = arith.constant -3.000000e+38 : f32
    %broadcast_in_dim3A_111 = vector.broadcast %jit3A_110 : f32 to vector<1024x1024xf32>
    %select_n3A_112 = arith.select %ge3A_109, %broadcast_in_dim3A_111, %select_n3A_104 : vector<1024x1024xi1>, vector<1024x1024xf32>
    %reduce_max3A_113 = arith.constant dense<0xFF800000> : vector<1024xf32>
    %reduce_max3A_114 = vector.multi_reduction <maximumf>, %select_n3A_112, %reduce_max3A_113 [1] : vector<1024x1024xf32> to vector<1024xf32>
    %broadcast_in_dim3A_115 = vector.shape_cast %reduce_max3A_114 : vector<1024xf32> to vector<1024x1xf32>
    %ge3A_116 = vector.broadcast %broadcast_in_dim3A_115 : vector<1024x1xf32> to vector<1024x1024xf32>
    %ge3A_117 = arith.cmpf oge, %select_n3A_112, %ge3A_116 : vector<1024x1024xf32>
    %jit3A_118 = arith.constant -3.000000e+38 : f32
    %broadcast_in_dim3A_119 = vector.broadcast %jit3A_118 : f32 to vector<1024x1024xf32>
    %select_n3A_120 = arith.select %ge3A_117, %broadcast_in_dim3A_119, %select_n3A_112 : vector<1024x1024xi1>, vector<1024x1024xf32>
    %reduce_max3A_121 = arith.constant dense<0xFF800000> : vector<1024xf32>
    %reduce_max3A_122 = vector.multi_reduction <maximumf>, %select_n3A_120, %reduce_max3A_121 [1] : vector<1024x1024xf32> to vector<1024xf32>
    %broadcast_in_dim3A_123 = vector.shape_cast %reduce_max3A_122 : vector<1024xf32> to vector<1024x1xf32>
    %ge3A_124 = vector.broadcast %broadcast_in_dim3A_123 : vector<1024x1xf32> to vector<1024x1024xf32>
    %ge3A_125 = arith.cmpf oge, %select_n3A_120, %ge3A_124 : vector<1024x1024xf32>
    %jit3A_126 = arith.constant -3.000000e+38 : f32
    %broadcast_in_dim3A_127 = vector.broadcast %jit3A_126 : f32 to vector<1024x1024xf32>
    %select_n3A_128 = arith.select %ge3A_125, %broadcast_in_dim3A_127, %select_n3A_120 : vector<1024x1024xi1>, vector<1024x1024xf32>
    %reduce_max3A_129 = arith.constant dense<0xFF800000> : vector<1024xf32>
    %reduce_max3A_130 = vector.multi_reduction <maximumf>, %select_n3A_128, %reduce_max3A_129 [1] : vector<1024x1024xf32> to vector<1024xf32>
    %broadcast_in_dim3A_131 = vector.shape_cast %reduce_max3A_130 : vector<1024xf32> to vector<1024x1xf32>
    %ge3A_132 = vector.broadcast %broadcast_in_dim3A_131 : vector<1024x1xf32> to vector<1024x1024xf32>
    %ge3A_133 = arith.cmpf oge, %dot_general3A_16, %ge3A_132 : vector<1024x1024xf32>
    %mul3A_134 = vector.broadcast %get3A_18 : f32 to vector<1024x1024xf32>
    %mul3A_135 = arith.mulf %mul3A_134, %dot_general3A_16 : vector<1024x1024xf32>
    %add3A_136 = vector.broadcast %get3A_20 : f32 to vector<1024x1024xf32>
    %add3A_137 = arith.addf %add3A_136, %mul3A_135 : vector<1024x1024xf32>
    %neg3A = arith.constant 0.000000e+00 : f32
    %neg3A_138 = vector.broadcast %neg3A : f32 to vector<1024x1024xf32>
    %neg3A_139 = arith.subf %neg3A_138, %add3A_137 : vector<1024x1024xf32>
    %exp3A = math.exp %neg3A_139 : vector<1024x1024xf32>
    %add3A_140 = arith.constant 1.000000e+00 : f32
    %add3A_141 = vector.broadcast %add3A_140 : f32 to vector<1024x1024xf32>
    %add3A_142 = arith.addf %add3A_141, %exp3A : vector<1024x1024xf32>
    %div3A_143 = arith.constant 1.000000e+00 : f32
    %div3A_144 = vector.broadcast %div3A_143 : f32 to vector<1024x1024xf32>
    %div3A_145 = arith.divf %div3A_144, %add3A_142 : vector<1024x1024xf32>
    %exp3A_146 = math.exp %div3A_145 : vector<1024x1024xf32>
    %jit3A_147 = arith.constant 0.000000e+00 : f32
    %broadcast_in_dim3A_148 = vector.broadcast %jit3A_147 : f32 to vector<1024x1024xf32>
    %select_n3A_149 = arith.select %ge3A_133, %exp3A_146, %broadcast_in_dim3A_148 : vector<1024x1024xi1>, vector<1024x1024xf32>
    %reduce_sum3A_150 = arith.constant dense<0.000000e+00> : vector<1024xf32>
    %reduce_sum3A_151 = vector.multi_reduction <add>, %select_n3A_149, %reduce_sum3A_150 [1] : vector<1024x1024xf32> to vector<1024xf32>
    %broadcast_in_dim3A_152 = vector.shape_cast %reduce_sum3A_151 : vector<1024xf32> to vector<1024x1xf32>
    %div3A_153 = vector.broadcast %broadcast_in_dim3A_152 : vector<1024x1xf32> to vector<1024x1024xf32>
    %div3A_154 = arith.divf %select_n3A_149, %div3A_153 : vector<1024x1024xf32>
    %dot_general3A_155 = arith.constant dense<0.000000e+00> : vector<1024x192xf32>
    %dot_general3A_156 = tpu.matmul %div3A_154, %get3A_3, %dot_general3A_155 {dimension_numbers = #tpu.dot_dimension_numbers<[1], [0], [0], [1], [0, 0, 1, 1], [], []>, transpose_lhs_hint = false} : vector<1024x1024xf32>, vector<1024x192xf32>, vector<1024x192xf32> -> vector<1024x192xf32>
    %swap3A = arith.constant 0 : index
    %swap3A_157 = arith.constant 0 : index
    %swap3A_158 = arith.constant 0 : index
    %swap3A_159 = vector.load %arg5[%swap3A, %swap3A_157, %swap3A_158] : memref<1x1024x192xf32, #tpu.memory_space<vmem>>, vector<1x1024x192xf32>
    %swap3A_160 = vector.shape_cast %swap3A_159 : vector<1x1024x192xf32> to vector<1024x192xf32>
    %swap3A_161 = vector.shape_cast %dot_general3A_156 : vector<1024x192xf32> to vector<1x1024x192xf32>
    tpu.vector_store %arg5[%swap3A, %swap3A_157, %swap3A_158], %swap3A_161 {strides = array<i32>} : memref<1x1024x192xf32, #tpu.memory_space<vmem>>, vector<1x1024x192xf32>,
    return
  }
  func.func @transform_0(%arg0: i32) -> i32 {
    %c0_i32 = arith.constant 0 : i32
    %c0_i32_0 = arith.constant 0 : i32
    return %c0_i32 : i32
  }
  func.func @transform_1(%arg0: i32) -> (i32, i32, i32) {
    %c0_i32 = arith.constant 0 : i32
    %c0_i32_0 = arith.constant 0 : i32
    %c0_i32_1 = arith.constant 0 : i32
    return %arg0, %c0_i32, %c0_i32_0 : i32, i32, i32
  }
  func.func @transform_2(%arg0: i32) -> (i32, i32) {
    %c0_i32 = arith.constant 0 : i32
    %c0_i32_0 = arith.constant 0 : i32
    %c0_i32_1 = arith.constant 0 : i32
    return %c0_i32, %c0_i32_0 : i32, i32
  }
  func.func @transform_3(%arg0: i32) -> (i32, i32) {
    %c0_i32 = arith.constant 0 : i32
    %c0_i32_0 = arith.constant 0 : i32
    %c0_i32_1 = arith.constant 0 : i32
    return %c0_i32, %c0_i32_0 : i32, i32
  }
  func.func @transform_4(%arg0: i32) -> (i32, i32, i32) {
    %c0_i32 = arith.constant 0 : i32
    %c0_i32_0 = arith.constant 0 : i32
    %c0_i32_1 = arith.constant 0 : i32
    return %arg0, %c0_i32, %c0_i32_0 : i32, i32, i32
  }
}

</mosaic_0001>

<sc_bundles>
// kernel: sparse-core-data-format-call.1.cloned.1.call-start
scs
called_computation.1_lowered:
.L_overlay_start_0:
0x0: {  	s1 =	sld [smem:$0x3FD9]  }
0x1: {  	s2 =	sld [smem:$0x3FFE];
	_ =	sdelay $0x1  }
0x2: {  	s3 =	srdreg.scid  }
0x3: {  	s0 =	sand.u32 $0x1, s3  }
0x4: {  	s17 =	sshll.u32 s0, $0xA;
	s1 =	sadd.s32 s2, s1  }
0x5: {  	s1 =	sadd.s32 s1, s17  }
0x6: {  	[smem:$0x3FC3] =	sst s1  }
0x7: {  	_ = 	snop  }
0x8: {  	(tm) =	ssettm $0x1  }
0x9: {  	s18 =	sld [smem:$0x3FFB];
	_ =	sdelay $0x3  }
0xa: {  	_ =	strace s18  }
0xb: {  	s1 =	sld [smem:$0x3FFC];
	_ =	sdelay $0x3  }
0xc: {  	_ =	strace s1  }
0xd: {  	s1 =	sld [smem:$0x3FFD];
	_ =	sdelay $0x3  }
0xe: {  	_ =	strace s1  }
0xf: {  	_ =	strace $0x8FFFFFFF  }
0x10: {  	s19 =	sld [smem:$0x3FDB];
	_ =	sdelay $0x1  }
0x11: {  	s20 =	simm.s32 $_scs_section_size  }
0x12: {  	s4 =	simm.s32 $_size__tile_overlayer_lowered;
	s5 =	simm.s32 $_tile_overlayer_lowered  }
0x13: {  	s23 =	simm.s32 $0x1BFF;
	s22 =	sshll.u32 s5, $0x1;
	s1 =	sadd.s32 s20, s19  }
0x14: {  	s6 =	simm.s32 $0x0;
	s21 =	sshll.u32 s4, $0x1;
	s4 =	sadd.s32 s22, s1  }
0x15: {  	[timem:s6], [sflag:s23] =	dma.local [hbm:s4], s21  }
0x16: {  	_ =	swait.ge [sflag:s23], s21  }
0x17: {  	s2 =	ssub.s32 $0x0, s21;
	[sflag:s23] =	ssyncset.done $0x0  }
0x18: {  	[sflag:s23] =	ssyncadd.s32 s2;
	_ =	sdelay $0x1  }
0x19: {  	s24 =	simm.s32 $0x1B8B  }
0x1a: {  	_ =	swait.ge [sflag:s24], $0x1  }
0x1b: {  	[sflag:s24] =	ssyncset.done $0x0  }
0x1c: {  	s26 =	simm.s32 $0x1B8E;
	s25 =	sld [smem:$0x3FFE];
	[sflag:s24] =	ssyncadd.s32 $0xFFFFFFFF  }
0x1d: {  	s27 =	simm.s32 $execute0_lowered;
	[smem:$0x3FD2] =	sst s26  }
0x1e: {  	s4 =	sshll.u32 s27, $0x1;
	_ =	strace $0x80000049;
	[dreg:$0x1] =	wrdreg $0xFFFFFFFF  }
0x1f: {  	s28 =	simm.s32 $_size_execute0_lowered;
	s1 =	sadd.s32 s1, s4;
	[dreg:$0x0] =	wrdreg $0x0  }
0x20: {  	s4 =	sshll.u32 s28, $0x1;
	[dreg:$0x2] =	wrdreg s1  }
0x21: {  	[dreg:$0x3] =	wrdreg s4  }
0x22: {  	[dreg:$0x4] =	wrdreg $0xC0  }
0x23: {  	_ =	task [dreg:s6], $0x5FFFF  }
0x24: {  	[dreg:$0x1] =	wrdreg $0xFFFFFFFF  }
0x25: {  	[dreg:$0x0] =	wrdreg $0x60  }
0x26: {  	[dreg:$0x2] =	wrdreg s25  }
0x27: {  	[dreg:$0x3] =	wrdreg $0x9  }
0x28: {  	_ =	task.clear_ibuf [dreg:s6], $0x4FFFF;
	_ =	strace $0x90000049  }
0x29: {  	s29 =	simm.s32 $0x9;
	_ =	strace $0x8000004B  }
0x2a: {  	_ =	swait.ge [sflag:s29], $0x1  }
0x2b: {  	[sflag:s29] =	ssyncadd.s32 $0xFFFFFFFF  }
0x2c: {  	_ =	strace $0x9000004B  }
0x2d: {  	_ =	sfence  }
0x2e: {  	s30 =	sld [smem:$0x0];
	_ =	sdelay $0x2  }
0x2f: {  	s31 =	sshll.u32 s3, $0xD;
	s3 =	sshrl.u32 s3, $0x2  }
0x30: {  	s2 =	sand.u32 $0x4000, s31;
	s1 =	sadd.s32 s3, s30  }
0x31: {  	s0 =	sor.u32 s2, s0;
	s1 =	sshll.u32 s1, $0x11  }
0x32: {  	s0 =	sor.u32 s1, s0  }
0x33: {  	s0 =	sadd.s32 $0x8F2B, s0  }
0x34: {  	[sflag:s0] =	ssyncadd.remote.s32 $0x1  }
0x35: {  	_ =	sfence.sel $0xFFFF  }
0x36: {  	[dreg:$0x0] =	wrdreg $0xFFFFFFFF;
	(pc) =	sbr.abs _section_cstart, $3  }
0x37: {  	[dreg:$0x1] =	wrdreg $0xFFFFFFFF  }
0x38: {  	_ =	task.clear_ibuf [dreg:s6], $0x2FFFF;
	_ =	strace $0x9FFFFFFF  }
0x39: {  	(tm) =	ssettm $0x7FFFFFFF  }
tec
execute0_lowered:
.L_overlay_start_1:
0x0: {  	(tag) =	ssettag $0x1  }
0x1: {  	s0 =	srdreg.scid  }
0x2: {  	s1 =	stileid.u32;
	s0 =	sshll.u32 s0, $0x4  }
0x3: {  	s6 =	rddreg [dreg:$0x0];
	s0 =	sor.u32 s1, s0  }
0x4: {  	_ =	strace $0x8000004A;
	s29 =	simm.s32 $0x1;
	s5 =	sand.u32 $0x1E, s0  }
0x5: {  	s7 =	simm.s32 $0x2;
	s15 =	simm.s32 $0x0;
	s0 =	ssub.s32 $0x20, s5  }
0x6: {  	s14 =	simm.s32 $0x0;
	s8 =	sand.u32 $0x1, s1;
	s2 =	sand.u32 $0x1E, s0  }
0x7: {  	[sflag:s29] =	ssyncpa.u1 $0x0;
	p0 =	sne.s32 s2, $0x0;
	s2 =	simm.s32 $0x1  }
0x8: {  	s31 =	sadd.s32 $0x188800, s6;
	s0 =	sshrl.u32 s0, $0x5;
	s2 =	simm.s32 @!p0 $0x0  }
0x9: {  	s4 =	ssub.s32 $0x4, s8;
	[dreg:$0xf] =	wrdreg s31;
	s0 =	sadd.s32 s2, s0  }
0xa: {  	[sflag:s7] =	ssyncpa.u1 $0x0;
	s28 =	sshll.u32 s5, $0xA;
	s0 =	smul.u32 s0, s4  }
.Ltmp0:
0xb: {  	[dreg:$0xd] =	wrdreg s8;
	s30 =	sadd.s32 s28, s6;
	(pc) =	sbr.rel .LBB1_1-.Ltmp0, $4  }
0xc: {  	[dreg:$0xc] =	wrdreg s5;
	s7 =	sadd.s32 $0x800, s30;
	s4 =	smul.u32 $0x7, s0  }
0xd: {  	s16 =	simm.s32 $0x0;
	s11 =	simm.s32 $0x0;
	[dreg:$0x10] =	wrdreg s7  }
0xe: {  	s13 =	simm.s32 $0x0;
	s9 =	sadd.s32 $0x1, s4;
	[dreg:$0xe] =	wrdreg s4  }
0xf: {  	s18 =	simm.s32 $0x0;
	s12 =	smov.u32 s8;
	[dreg:$0x11] =	wrdreg s9  }
.LBB1_7:
0x10: {  	s0 =	sadd.s32 $0x1, s11  }
0x11: {  	s2 =	sadd.s32 $0x2, s12;
	s3 =	smov.u32 s12;
	p1 =	sgt.s32 s0, $0x6  }
0x12: {  	s3 =	smov.u32 @p1 s2  }
0x13: {  	s0 =	simm.s32 @p1 $0x0;
	p1 =	sgt.s32 s3, $0x6  }
0x14: {  	s3 =	smov.u32 @p1 s8;
	p1 =	sne.s32 s13, s9  }
.Ltmp1:
0x15: {  	p0 =	slt.u32 s13, $0x2;
	(pc) =	sbr.rel @!p1 .LBB1_8-.Ltmp1, $4  }
0x16: {  	s1 =	simm.s32 @!p0 $0x2  }
0x17: {  	s14 =	smov.u32 s11;
	s16 =	smov.u32 s12;
	_ =	swait.ge @!p0 [sflag:s1], $0x4000  }
0x18: {  	s15 =	smov.u32 s5;
	[sflag:s1] =	ssyncset.done @!p0 $0x0;
	s11 =	smov.u32 s0  }
0x19: {  	s13 =	sadd.s32 $0x1, s13;
	[sflag:s1] =	ssyncadd.s32 @!p0 $0xFFFFC000;
	s12 =	smov.u32 s3  }
.LBB1_1:
0x1a: {  	p0 =	sge.u32 s13, s4  }
0x1b: {  	s0 =	smul.u32 @!p0 $0x38000, s12  }
0x1c: {  	s31 =	sadd.s32 $0xFFFFFFFF, s13;
	s2 =	sxor.u32 @!p0 $0xFFFFFFFF, s13  }
0x1d: {  	s6 =	sshll.u32 @!p0 s11, $0xF;
	s2 =	sshll.u32 @!p0 s2, $0xE;
	s0 =	sadd.s32 @!p0 s0, s7  }
0x1e: {  	s2 =	sand.u32 @!p0 $0x4000, s2;
	s0 =	sadd.s32 @!p0 s6, s0;
	s6 =	simm.s32 @!p0 $0x0  }
0x1f: {  	[tilespmem:s2], [sflag:$0x1] =	stream.linear.gather @!p0 [hbm4b:s0+s6], $0x4000, $0x38;
	[tilespmem:$0x10000] =	vst v63  }
0x20: {  	p0 =	sge.u32 s31, s4  }
.Ltmp2:
0x21: {  	_ = 	snop;
	(pc) =	sbr.rel @p0 .LBB1_7-.Ltmp2, $1  }
0x22: {  	_ =	sdelay $0x3  }
0x23: {  	s0 =	sshll.u32 s13, $0xE  }
0x24: {  	s0 =	sand.u32 $0x4000, s0  }
0x25: {  	s31 =	sor.u32 $0x8000, s0  }
0x26: {  	s1 =	simm.s32 $0x1;
	v0 =	vmov s0;
	v1 =	vmov s31  }
0x27: {  	_ =	swait.ge [sflag:s1], $0x4000  }
0x28: {  	p1 =	por $0x1, $0x1;
	[sflag:s1] =	ssyncset.done $0x0  }
0x29: {  	s19 =	simm.s32 $0x0;
	[sflag:s1] =	ssyncadd.s32 $0xFFFFC000;
	[dreg:$0x12] =	wrdreg s31  }
.LBB1_3:
0x2a: {  	s0 =	sor.u32 $0x10, s19  }
0x2b: {  	s20 =	sor.u32 $0x20, s19;
	[dreg:$0x2] =	wrdreg s0  }
0x2c: {  	s21 =	sor.u32 $0x30, s19;
	[dreg:$0x3] =	wrdreg s20  }
0x2d: {  	s22 =	sor.u32 $0x40, s19;
	[dreg:$0x4] =	wrdreg s21  }
0x2e: {  	s23 =	sor.u32 $0x50, s19;
	[dreg:$0x5] =	wrdreg s22  }
0x2f: {  	s24 =	sor.u32 $0x60, s19;
	[dreg:$0x6] =	wrdreg s23  }
0x30: {  	s25 =	sor.u32 $0x70, s19;
	[dreg:$0x7] =	wrdreg s24  }
0x31: {  	s26 =	sor.u32 $0x410, s19;
	[dreg:$0x8] =	wrdreg s25  }
0x32: {  	s27 =	sor.u32 $0x420, s19;
	[dreg:$0x9] =	wrdreg s26  }
0x33: {  	s28 =	sor.u32 $0x430, s19;
	s1 =	sand.u32 $0x1800, s18;
	[dreg:$0xa] =	wrdreg s27  }
0x34: {  	s2 =	sand.u32 $0x380, s18;
	s9 =	sand.u32 $0x80, s18;
	[dreg:$0xb] =	wrdreg s28  }
0x35: {  	s20 =	sor.u32 $0x440, s19;
	s0 =	sor.u32 s2, s1;
	s10 =	sor.u32 s19, s9  }
0x36: {  	s6 =	rddreg [dreg:$0x3];
	s25 =	sand.u32 $0x1B00, s0;
	s24 =	sor.u32 s20, s0  }
0x37: {  	s21 =	sor.u32 $0x450, s19;
	s3 =	rddreg [dreg:$0xb];
	s10 =	sor.u32 s25, s10;
	v2 =	vld.idx.msk [tilespmem:v0+s24+$0x0 ss:$0x1], $0xffff  }
0x38: {  	s22 =	sor.u32 $0x460, s19;
	s26 =	rddreg [dreg:$0x5];
	s29 =	sor.u32 s21, s0;
	v3 =	vld.idx.msk [tilespmem:v0+s10+$0x0 ss:$0x1], $0xffff  }
0x39: {  	s23 =	sor.u32 $0x470, s19;
	s27 =	rddreg [dreg:$0x7];
	s1 =	sor.u32 s22, s0;
	v4 =	vld.idx.msk [tilespmem:v0+s29+$0x0 ss:$0x1], $0xffff  }
0x3a: {  	s28 =	rddreg [dreg:$0xa];
	s8 =	sor.u32 s23, s0;
	v5 =	vld.idx.msk [tilespmem:v0+s1+$0x0 ss:$0x1], $0xffff  }
0x3b: {  	s4 =	rddreg [dreg:$0x4];
	s3 =	sor.u32 s3, s0;
	v6 =	vld.idx.msk [tilespmem:v0+s8+$0x0 ss:$0x1], $0xffff  }
0x3c: {  	s7 =	rddreg [dreg:$0x8];
	s5 =	sor.u32 s6, s9;
	s17 =	sor.u32 $0x400, s10;
	v7 =	vld.idx.msk [tilespmem:v0+s3+$0x0 ss:$0x1], $0xffff;
	[tilespmem:v1+s24+$0x0 ss:$0x1] =	vst.idx.msk $0xffff, v2  }
0x3d: {  	s5 =	sor.u32 s25, s5;
	v8 =	vld.idx.msk [tilespmem:v0+s17+$0x0 ss:$0x1], $0xffff;
	[tilespmem:v1+s10+$0x0 ss:$0x1] =	vst.idx.msk $0xffff, v3  }
0x3e: {  	s31 =	sor.u32 s28, s0;
	v9 =	vld.idx.msk [tilespmem:v0+s5+$0x0 ss:$0x1], $0xffff;
	s24 =	sor.u32 s27, s9;
	s6 =	rddreg [dreg:$0x9]  }
0x3f: {  	s26 =	sor.u32 s26, s9;
	v2 =	vld.idx.msk [tilespmem:v0+s31+$0x0 ss:$0x1], $0xffff;
	s30 =	sor.u32 s25, s24;
	s10 =	rddreg [dreg:$0x6];
	[tilespmem:v1+s29+$0x0 ss:$0x1] =	vst.idx.msk $0xffff, v4  }
0x40: {  	s26 =	sor.u32 s25, s26;
	v3 =	vld.idx.msk [tilespmem:v0+s30+$0x0 ss:$0x1], $0xffff;
	s27 =	rddreg [dreg:$0x2];
	[tilespmem:v1+s1+$0x0 ss:$0x1] =	vst.idx.msk $0xffff, v5  }
0x41: {  	p0 =	por p1, p1;
	s28 =	sor.u32 s7, s9;
	v4 =	vld.idx.msk [tilespmem:v0+s26+$0x0 ss:$0x1], $0xffff;
	s2 =	sor.u32 s6, s0;
	[tilespmem:v1+s8+$0x0 ss:$0x1] =	vst.idx.msk $0xffff, v6  }
0x42: {  	s24 =	simm.s32 $0x100;
	s7 =	sor.u32 s10, s9;
	s10 =	sor.u32 s25, s28;
	[tilespmem:v1+s3+$0x0 ss:$0x1] =	vst.idx.msk $0xffff, v7;
	v5 =	vld.idx.msk [tilespmem:v0+s2+$0x0 ss:$0x1], $0xffff  }
0x43: {  	s8 =	sor.u32 s4, s9;
	[tilespmem:v1+s17+$0x0 ss:$0x1] =	vst.idx.msk $0xffff, v8;
	s28 =	sor.u32 s27, s9;
	s6 =	sor.u32 s25, s7;
	v6 =	vld.idx.msk [tilespmem:v0+s10+$0x0 ss:$0x1], $0xffff  }
0x44: {  	[tilespmem:v1+s5+$0x0 ss:$0x1] =	vst.idx.msk $0xffff, v9;
	s29 =	sor.u32 s25, s8;
	s9 =	sor.u32 s25, s28;
	v7 =	vld.idx.msk [tilespmem:v0+s6+$0x0 ss:$0x1], $0xffff;
	s25 =	simm.s32 $0x80  }
.LBB1_4:
0x45: {  	s0 =	sand.u32 $0x1800, s24;
	s1 =	sand.u32 $0x380, s25  }
0x46: {  	v8 =	vld.idx.msk [tilespmem:v0+s29+$0x0 ss:$0x1], $0xffff;
	s27 =	sand.u32 $0x80, s25;
	s0 =	sor.u32 s1, s0;
	[tilespmem:v1+s31+$0x0 ss:$0x1] =	vst.idx.msk $0xffff, v2  }
0x47: {  	s4 =	sor.u32 s19, s27;
	s28 =	sand.u32 $0x1B00, s0;
	s5 =	sor.u32 s20, s0;
	v2 =	vld.idx.msk [tilespmem:v0+s9+$0x0 ss:$0x1], $0xffff;
	[tilespmem:v1+s30+$0x0 ss:$0x1] =	vst.idx.msk $0xffff, v3  }
0x48: {  	s17 =	rddreg [dreg:$0xb];
	s4 =	sor.u32 s28, s4;
	[tilespmem:v1+s26+$0x0 ss:$0x1] =	vst.idx.msk $0xffff, v4;
	v3 =	vld.idx.msk [tilespmem:v0+s5+$0x0 ss:$0x1], $0xffff  }
0x49: {  	s3 =	rddreg [dreg:$0x3];
	s1 =	sor.u32 s17, s0;
	s17 =	sor.u32 s22, s0;
	[tilespmem:v1+s2+$0x0 ss:$0x1] =	vst.idx.msk $0xffff, v5;
	v4 =	vld.idx.msk [tilespmem:v0+s4+$0x0 ss:$0x1], $0xffff  }
0x4a: {  	s3 =	sor.u32 s3, s27;
	s7 =	sor.u32 s23, s0;
	[tilespmem:v1+s10+$0x0 ss:$0x1] =	vst.idx.msk $0xffff, v6;
	v6 =	vld.idx.msk [tilespmem:v0+s17+$0x0 ss:$0x1], $0xffff  }
0x4b: {  	s3 =	sor.u32 s28, s3;
	[tilespmem:v1+s6+$0x0 ss:$0x1] =	vst.idx.msk $0xffff, v7;
	v7 =	vld.idx.msk [tilespmem:v0+s7+$0x0 ss:$0x1], $0xffff  }
0x4c: {  	s2 =	sor.u32 s21, s0;
	s10 =	rddreg [dreg:$0x5];
	v10 =	vld.idx.msk [tilespmem:v0+s3+$0x0 ss:$0x1], $0xffff;
	[tilespmem:v1+s29+$0x0 ss:$0x1] =	vst.idx.msk $0xffff, v8  }
0x4d: {  	p1 =	sne.s32 s24, $0x1F00;
	s6 =	rddreg [dreg:$0x7];
	v5 =	vld.idx.msk [tilespmem:v0+s2+$0x0 ss:$0x1], $0xffff;
	[tilespmem:v1+s9+$0x0 ss:$0x1] =	vst.idx.msk $0xffff, v2  }
0x4e: {  	s8 =	sor.u32 $0x400, s4;
	s26 =	rddreg [dreg:$0xa];
	s10 =	sor.u32 s10, s27;
	v8 =	vld.idx.msk [tilespmem:v0+s1+$0x0 ss:$0x1], $0xffff;
	[tilespmem:v1+s5+$0x0 ss:$0x1] =	vst.idx.msk $0xffff, v3  }
0x4f: {  	s6 =	sor.u32 s6, s27;
	s29 =	rddreg [dreg:$0x8];
	v9 =	vld.idx.msk [tilespmem:v0+s8+$0x0 ss:$0x1], $0xffff;
	s31 =	sor.u32 s26, s0;
	[tilespmem:v1+s4+$0x0 ss:$0x1] =	vst.idx.msk $0xffff, v4  }
0x50: {  	s26 =	sor.u32 s28, s10;
	s30 =	sor.u32 s28, s6;
	s6 =	rddreg [dreg:$0x2];
	v2 =	vld.idx.msk [tilespmem:v0+s31+$0x0 ss:$0x1], $0xffff;
	[tilespmem:v1+s17+$0x0 ss:$0x1] =	vst.idx.msk $0xffff, v6  }
.Ltmp3:
0x51: {  	s10 =	sor.u32 s29, s27;
	s4 =	rddreg [dreg:$0x9];
	v3 =	vld.idx.msk [tilespmem:v0+s30+$0x0 ss:$0x1], $0xffff;
	[tilespmem:v1+s7+$0x0 ss:$0x1] =	vst.idx.msk $0xffff, v7;
	(pc) =	sbr.rel @p1 .LBB1_4-.Ltmp3, $4  }
0x52: {  	s24 =	sadd.s32 $0x100, s24;
	s10 =	sor.u32 s28, s10;
	s5 =	rddreg [dreg:$0x6];
	v4 =	vld.idx.msk [tilespmem:v0+s26+$0x0 ss:$0x1], $0xffff;
	[tilespmem:v1+s3+$0x0 ss:$0x1] =	vst.idx.msk $0xffff, v10  }
0x53: {  	s9 =	rddreg [dreg:$0x4];
	v6 =	vld.idx.msk [tilespmem:v0+s10+$0x0 ss:$0x1], $0xffff;
	[tilespmem:v1+s2+$0x0 ss:$0x1] =	vst.idx.msk $0xffff, v5;
	s2 =	sor.u32 s4, s0;
	s17 =	sor.u32 s5, s27  }
0x54: {  	s9 =	sor.u32 s9, s27;
	[tilespmem:v1+s1+$0x0 ss:$0x1] =	vst.idx.msk $0xffff, v8;
	s27 =	sor.u32 s6, s27;
	v5 =	vld.idx.msk [tilespmem:v0+s2+$0x0 ss:$0x1], $0xffff;
	s6 =	sor.u32 s28, s17  }
0x55: {  	s25 =	sadd.s32 $0x80, s25;
	[tilespmem:v1+s8+$0x0 ss:$0x1] =	vst.idx.msk $0xffff, v9;
	s29 =	sor.u32 s28, s9;
	s9 =	sor.u32 s28, s27;
	v7 =	vld.idx.msk [tilespmem:v0+s6+$0x0 ss:$0x1], $0xffff  }
0x56: {  	_ =	sdelay $0x3  }
0x57: {  	[tilespmem:v1+s31+$0x0 ss:$0x1] =	vst.idx.msk $0xffff, v2  }
0x58: {  	v2 =	vld.idx.msk [tilespmem:v0+s29+$0x0 ss:$0x1], $0xffff;
	[tilespmem:v1+s30+$0x0 ss:$0x1] =	vst.idx.msk $0xffff, v3  }
0x59: {  	v3 =	vld.idx.msk [tilespmem:v0+s9+$0x0 ss:$0x1], $0xffff;
	[tilespmem:v1+s26+$0x0 ss:$0x1] =	vst.idx.msk $0xffff, v4  }
.Ltmp4:
0x5a: {  	[tilespmem:v1+s10+$0x0 ss:$0x1] =	vst.idx.msk $0xffff, v6;
	(pc) =	sbr.rel @p0 .LBB1_3-.Ltmp4, $4  }
0x5b: {  	[tilespmem:v1+s2+$0x0 ss:$0x1] =	vst.idx.msk $0xffff, v5  }
0x5c: {  	[tilespmem:v1+s6+$0x0 ss:$0x1] =	vst.idx.msk $0xffff, v7  }
0x5d: {  	[tilespmem:v1+s29+$0x0 ss:$0x1] =	vst.idx.msk $0xffff, v2  }
0x5e: {  	s19 =	simm.s32 $0x2000;
	p1 =	por $0x0, $0x0;
	[tilespmem:v1+s9+$0x0 ss:$0x1] =	vst.idx.msk $0xffff, v3  }
0x5f: {  	s3 =	rddreg [dreg:$0xf]  }
0x60: {  	s0 =	smul.u32 $0x38000, s16;
	s31 =	rddreg [dreg:$0x12]  }
0x61: {  	s1 =	smul.u32 $0x1C00, s15;
	s5 =	rddreg [dreg:$0xc]  }
.Ltmp5:
0x62: {  	s8 =	rddreg [dreg:$0xd];
	(pc) =	sbr.rel .LBB1_7-.Ltmp5, $4  }
0x63: {  	s2 =	sshll.u32 s14, $0xA;
	s4 =	rddreg [dreg:$0xe];
	s0 =	sadd.s32 s3, s0  }
0x64: {  	s29 =	simm.s32 $0x2000;
	s7 =	rddreg [dreg:$0x10];
	s0 =	sadd.s32 s2, s0  }
0x65: {  	s30 =	simm.s32 $0xE000;
	s9 =	rddreg [dreg:$0x11];
	s0 =	sadd.s32 s1, s0  }
0x66: {  	[hbm4b:s0+s29] =	stream.strided.scatter [tilespmem:s31], [sflag:$0x2], $0x4000, s30, s29, $0x38;
	[tilespmem:$0x10000] =	vst v63  }
.LBB1_8:
0x67: {  	_ =	sfence.sel $0x180000  }
0x68: {  	s0 =	simm.s32 $0x1;
	[bflag:$0x0] =	sbarrier.arrive $0xFFFF  }
0x69: {  	s30 =	simm.s32 $0x2;
	[sflag:s0] =	ssyncpa.u1 $0x1  }
0x6a: {  	[sflag:s30] =	ssyncpa.u1 $0x1  }
0x6b: {  	_ =	strace $0x9000004A  }
0x6c: {  	s31 =	stileid.u32;
	[bflag:$0x2] =	sbarrier.arrive $0xFFFF  }
0x6d: {  	p0 =	sne.s32 s31, $0x0;
	s0 =	rddreg [dreg:$0x1]  }
0x6e: {  	s0 =	sadd.s32 @!p0 $0x100000, s0  }
0x6f: {  	[sflag:s0] =	ssyncadd.tile.s32 @!p0 $0x1;
	_ =	shalt  }
.Lfunc_end1:
_tile_overlayer_lowered:
.L_overlay_start_2:
0x70: {  	(tag) =	ssettag $0x2  }
0x71: {  	s0 =	rddreg [dreg:$0x0];
	s2 =	stileid.u32  }
0x72: {  	s1 =	rddreg [dreg:$0x1];
	p0 =	sne.s32 s2, $0x0  }
0x73: {  	s3 =	rddreg [dreg:$0x2];
	[bflag:$0x3] =	sbarrier.arrive $0xFFFF;
	s2 =	simm.s32 @!p0 $0x1C01  }
0x74: {  	[timem:s3], [sflag:s2] =	dma.local @!p0 [hbm:s0], s1  }
0x75: {  	s0 =	simm.s32 @!p0 $0x1  }
0x76: {  	_ =	swait.ge @!p0 [sflag:s0], s1  }
0x77: {  	s1 =	ssub.s32 @!p0 $0x0, s1;
	[sflag:s0] =	ssyncset.done @!p0 $0x0  }
0x78: {  	[sflag:s0] =	ssyncadd.s32 @!p0 s1  }
0x79: {  	[bflag:$0x3] =	sbarrier.arrive $0xFFFF  }
0x7a: {  	_ =	shalt  }

// kernel: sparse-core-data-format-call.2.cloned.1.call-start
scs
called_computation.2_lowered:
.L_overlay_start_0:
0x0: {  	s1 =	sld [smem:$0x3FD9]  }
0x1: {  	s2 =	sld [smem:$0x3FFE];
	_ =	sdelay $0x1  }
0x2: {  	s3 =	srdreg.scid  }
0x3: {  	s0 =	sand.u32 $0x1, s3  }
0x4: {  	s17 =	sshll.u32 s0, $0xA;
	s1 =	sadd.s32 s2, s1  }
0x5: {  	s1 =	sadd.s32 s1, s17  }
0x6: {  	[smem:$0x3FC3] =	sst s1  }
0x7: {  	_ = 	snop  }
0x8: {  	(tm) =	ssettm $0x1  }
0x9: {  	s18 =	sld [smem:$0x3FFB];
	_ =	sdelay $0x3  }
0xa: {  	_ =	strace s18  }
0xb: {  	s1 =	sld [smem:$0x3FFC];
	_ =	sdelay $0x3  }
0xc: {  	_ =	strace s1  }
0xd: {  	s1 =	sld [smem:$0x3FFD];
	_ =	sdelay $0x3  }
0xe: {  	_ =	strace s1  }
0xf: {  	_ =	strace $0x8FFFFFFF  }
0x10: {  	s19 =	sld [smem:$0x3FDB];
	_ =	sdelay $0x1  }
0x11: {  	s20 =	simm.s32 $_scs_section_size  }
0x12: {  	s4 =	simm.s32 $_size__tile_overlayer_lowered;
	s5 =	simm.s32 $_tile_overlayer_lowered  }
0x13: {  	s23 =	simm.s32 $0x1BFF;
	s22 =	sshll.u32 s5, $0x1;
	s1 =	sadd.s32 s20, s19  }
0x14: {  	s6 =	simm.s32 $0x0;
	s21 =	sshll.u32 s4, $0x1;
	s4 =	sadd.s32 s22, s1  }
0x15: {  	[timem:s6], [sflag:s23] =	dma.local [hbm:s4], s21  }
0x16: {  	_ =	swait.ge [sflag:s23], s21  }
0x17: {  	s2 =	ssub.s32 $0x0, s21;
	[sflag:s23] =	ssyncset.done $0x0  }
0x18: {  	[sflag:s23] =	ssyncadd.s32 s2;
	_ =	sdelay $0x1  }
0x19: {  	s24 =	simm.s32 $0x1B8B  }
0x1a: {  	_ =	swait.ge [sflag:s24], $0x1  }
0x1b: {  	[sflag:s24] =	ssyncset.done $0x0  }
0x1c: {  	s26 =	simm.s32 $0x1B8E;
	s25 =	sld [smem:$0x3FFE];
	[sflag:s24] =	ssyncadd.s32 $0xFFFFFFFF  }
0x1d: {  	s27 =	simm.s32 $execute0_lowered;
	[smem:$0x3FD2] =	sst s26  }
0x1e: {  	s4 =	sshll.u32 s27, $0x1;
	_ =	strace $0x80000046;
	[dreg:$0x1] =	wrdreg $0xFFFFFFFF  }
0x1f: {  	s28 =	simm.s32 $_size_execute0_lowered;
	s1 =	sadd.s32 s1, s4;
	[dreg:$0x0] =	wrdreg $0x0  }
0x20: {  	s4 =	sshll.u32 s28, $0x1;
	[dreg:$0x2] =	wrdreg s1  }
0x21: {  	[dreg:$0x3] =	wrdreg s4  }
0x22: {  	[dreg:$0x4] =	wrdreg $0xC0  }
0x23: {  	_ =	task [dreg:s6], $0x5FFFF  }
0x24: {  	[dreg:$0x1] =	wrdreg $0xFFFFFFFF  }
0x25: {  	[dreg:$0x0] =	wrdreg $0x60  }
0x26: {  	[dreg:$0x2] =	wrdreg s25  }
0x27: {  	[dreg:$0x3] =	wrdreg $0x9  }
0x28: {  	_ =	task.clear_ibuf [dreg:s6], $0x4FFFF;
	_ =	strace $0x90000046  }
0x29: {  	s29 =	simm.s32 $0x9;
	_ =	strace $0x80000048  }
0x2a: {  	_ =	swait.ge [sflag:s29], $0x1  }
0x2b: {  	[sflag:s29] =	ssyncadd.s32 $0xFFFFFFFF  }
0x2c: {  	_ =	strace $0x90000048  }
0x2d: {  	_ =	sfence  }
0x2e: {  	s30 =	sld [smem:$0x0];
	_ =	sdelay $0x2  }
0x2f: {  	s31 =	sshll.u32 s3, $0xD;
	s3 =	sshrl.u32 s3, $0x2  }
0x30: {  	s2 =	sand.u32 $0x4000, s31;
	s1 =	sadd.s32 s3, s30  }
0x31: {  	s0 =	sor.u32 s2, s0;
	s1 =	sshll.u32 s1, $0x11  }
0x32: {  	s0 =	sor.u32 s1, s0  }
0x33: {  	s0 =	sadd.s32 $0x8F2B, s0  }
0x34: {  	[sflag:s0] =	ssyncadd.remote.s32 $0x1  }
0x35: {  	_ =	sfence.sel $0xFFFF  }
0x36: {  	[dreg:$0x0] =	wrdreg $0xFFFFFFFF;
	(pc) =	sbr.abs _section_cstart, $3  }
0x37: {  	[dreg:$0x1] =	wrdreg $0xFFFFFFFF  }
0x38: {  	_ =	task.clear_ibuf [dreg:s6], $0x2FFFF;
	_ =	strace $0x9FFFFFFF  }
0x39: {  	(tm) =	ssettm $0x7FFFFFFF  }
tec
execute0_lowered:
.L_overlay_start_1:
0x0: {  	(tag) =	ssettag $0x1  }
0x1: {  	s0 =	srdreg.scid  }
0x2: {  	s1 =	stileid.u32;
	s0 =	sshll.u32 s0, $0x4  }
0x3: {  	s0 =	sor.u32 s1, s0  }
0x4: {  	s28 =	rddreg [dreg:$0x0];
	_ =	strace $0x80000047;
	s5 =	sand.u32 $0x1E, s0  }
0x5: {  	s29 =	simm.s32 $0x1;
	s30 =	simm.s32 $0x2;
	s0 =	ssub.s32 $0x20, s5  }
0x6: {  	s3 =	simm.s32 $0x0;
	s15 =	simm.s32 $0x0;
	s2 =	sand.u32 $0x1E, s0  }
0x7: {  	s16 =	simm.s32 $0x0;
	p0 =	sne.s32 s2, $0x0;
	s2 =	simm.s32 $0x1  }
0x8: {  	s6 =	sand.u32 $0x1, s1;
	s0 =	sshrl.u32 s0, $0x5;
	s2 =	simm.s32 @!p0 $0x0  }
0x9: {  	s31 =	sadd.s32 $0x188800, s28;
	s4 =	ssub.s32 $0x4, s6;
	s0 =	sadd.s32 s2, s0  }
0xa: {  	s10 =	simm.s32 $0x0;
	[dreg:$0x10] =	wrdreg s31;
	s0 =	smul.u32 s0, s4  }
.Ltmp0:
0xb: {  	s9 =	sadd.s32 $0x800, s28;
	[dreg:$0xd] =	wrdreg s6;
	(pc) =	sbr.rel .LBB1_1-.Ltmp0, $4  }
0xc: {  	s13 =	simm.s32 $0x0;
	[dreg:$0xf] =	wrdreg s9;
	s8 =	smul.u32 $0x7, s0  }
0xd: {  	s18 =	simm.s32 $0x0;
	[sflag:s29] =	ssyncpa.u1 $0x0;
	[dreg:$0xc] =	wrdreg s5  }
0xe: {  	[sflag:s30] =	ssyncpa.u1 $0x0;
	s14 =	sadd.s32 $0x1, s8;
	[dreg:$0xe] =	wrdreg s8  }
0xf: {  	s12 =	smov.u32 s6;
	s11 =	smov.u32 s5;
	[dreg:$0x11] =	wrdreg s14  }
.LBB1_7:
0x10: {  	s0 =	sadd.s32 $0x1, s10  }
0x11: {  	s1 =	sadd.s32 $0x20, s11;
	s2 =	smov.u32 s11;
	p1 =	sgt.s32 s0, $0x6  }
0x12: {  	s2 =	smov.u32 @p1 s1  }
0x13: {  	s3 =	sadd.s32 $0x2, s12;
	s4 =	smov.u32 s12;
	p2 =	sgt.s32 s2, $0x1F  }
0x14: {  	s4 =	smov.u32 @p2 s3  }
0x15: {  	s0 =	simm.s32 @p1 $0x0;
	p1 =	sgt.s32 s4, $0x6  }
0x16: {  	p0 =	slt.u32 s13, $0x2;
	s4 =	smov.u32 @p1 s6;
	p1 =	sne.s32 s13, s14  }
.Ltmp1:
0x17: {  	s1 =	simm.s32 @!p0 $0x2;
	(pc) =	sbr.rel @!p1 .LBB1_8-.Ltmp1, $4  }
0x18: {  	s15 =	smov.u32 s11;
	_ =	swait.ge @!p0 [sflag:s1], $0x4000  }
0x19: {  	s16 =	smov.u32 s12;
	[sflag:s1] =	ssyncset.done @!p0 $0x0;
	s2 =	smov.u32 @p2 s5  }
0x1a: {  	s3 =	smov.u32 s10;
	s10 =	smov.u32 s0;
	[sflag:s1] =	ssyncadd.s32 @!p0 $0xFFFFC000  }
0x1b: {  	s11 =	smov.u32 s2;
	s13 =	sadd.s32 $0x1, s13;
	s12 =	smov.u32 s4  }
.LBB1_1:
0x1c: {  	p0 =	sge.u32 s13, s8  }
0x1d: {  	s0 =	smul.u32 @!p0 $0x38000, s12  }
0x1e: {  	s2 =	sxor.u32 @!p0 $0xFFFFFFFF, s13;
	s4 =	smul.u32 @!p0 $0x1C00, s11  }
0x1f: {  	s31 =	sadd.s32 $0xFFFFFFFF, s13;
	s2 =	sshll.u32 @!p0 s2, $0xE;
	s0 =	sadd.s32 @!p0 s9, s0  }
0x20: {  	s7 =	sshll.u32 @!p0 s10, $0xA;
	s2 =	sand.u32 @!p0 $0x4000, s2;
	s0 =	sadd.s32 @!p0 s4, s0  }
0x21: {  	s4 =	simm.s32 @!p0 $0x2000;
	s0 =	sadd.s32 @!p0 s7, s0;
	s7 =	simm.s32 @!p0 $0xE000  }
0x22: {  	[tilespmem:s2], [sflag:$0x1] =	stream.strided.gather @!p0 [hbm4b:s0+s4], $0x4000, s7, s4, $0x38;
	[tilespmem:$0x10000] =	vst v63  }
0x23: {  	p0 =	sge.u32 s31, s8  }
.Ltmp2:
0x24: {  	_ = 	snop;
	(pc) =	sbr.rel @p0 .LBB1_7-.Ltmp2, $1  }
0x25: {  	_ =	sdelay $0x3  }
0x26: {  	s0 =	sshll.u32 s13, $0xE  }
0x27: {  	s0 =	sand.u32 $0x4000, s0  }
0x28: {  	s31 =	sor.u32 $0x8000, s0  }
0x29: {  	[dreg:$0x12] =	wrdreg s3;
	s1 =	simm.s32 $0x1;
	v0 =	vmov s0;
	v1 =	vmov s31  }
0x2a: {  	_ =	swait.ge [sflag:s1], $0x4000  }
0x2b: {  	p1 =	por $0x1, $0x1;
	[sflag:s1] =	ssyncset.done $0x0  }
0x2c: {  	s19 =	simm.s32 $0x0;
	[sflag:s1] =	ssyncadd.s32 $0xFFFFC000;
	[dreg:$0x13] =	wrdreg s31  }
.LBB1_3:
0x2d: {  	s0 =	sor.u32 $0x10, s19  }
0x2e: {  	s22 =	sor.u32 $0x20, s19;
	[dreg:$0x2] =	wrdreg s0  }
0x2f: {  	s23 =	sor.u32 $0x30, s19;
	[dreg:$0x3] =	wrdreg s22  }
0x30: {  	s24 =	sor.u32 $0x40, s19;
	[dreg:$0x4] =	wrdreg s23  }
0x31: {  	s25 =	sor.u32 $0x50, s19;
	[dreg:$0x5] =	wrdreg s24  }
0x32: {  	s26 =	sor.u32 $0x60, s19;
	[dreg:$0x6] =	wrdreg s25  }
0x33: {  	s27 =	sor.u32 $0x70, s19;
	s28 =	sor.u32 $0x410, s19;
	[dreg:$0x7] =	wrdreg s26  }
0x34: {  	s1 =	sor.u32 $0x420, s19;
	s2 =	sor.u32 $0x430, s19;
	[dreg:$0x8] =	wrdreg s27  }
0x35: {  	s20 =	sor.u32 $0x440, s19;
	s3 =	sand.u32 $0x1800, s18;
	[dreg:$0x9] =	wrdreg s28  }
0x36: {  	s9 =	sand.u32 $0x80, s18;
	[dreg:$0xb] =	wrdreg s2;
	s2 =	sand.u32 $0x380, s18  }
0x37: {  	[dreg:$0xa] =	wrdreg s1;
	s7 =	sor.u32 s19, s9;
	s0 =	sor.u32 s2, s3  }
0x38: {  	s4 =	rddreg [dreg:$0x3];
	s25 =	sand.u32 $0x1B00, s0;
	s24 =	sor.u32 s20, s0  }
0x39: {  	s21 =	sor.u32 $0x450, s19;
	s5 =	rddreg [dreg:$0xb];
	s7 =	sor.u32 s25, s7;
	v2 =	vld.idx.msk [tilespmem:v0+s24+$0x0 ss:$0x1], $0xffff  }
0x3a: {  	s22 =	sor.u32 $0x460, s19;
	s26 =	rddreg [dreg:$0x5];
	s29 =	sor.u32 s21, s0;
	v3 =	vld.idx.msk [tilespmem:v0+s7+$0x0 ss:$0x1], $0xffff  }
0x3b: {  	s23 =	sor.u32 $0x470, s19;
	s27 =	rddreg [dreg:$0x7];
	s8 =	sor.u32 s22, s0;
	v4 =	vld.idx.msk [tilespmem:v0+s29+$0x0 ss:$0x1], $0xffff  }
0x3c: {  	s28 =	rddreg [dreg:$0xa];
	s3 =	sor.u32 s23, s0;
	v5 =	vld.idx.msk [tilespmem:v0+s8+$0x0 ss:$0x1], $0xffff  }
0x3d: {  	s6 =	rddreg [dreg:$0x4];
	s17 =	sor.u32 s5, s0;
	s14 =	sor.u32 s4, s9;
	v6 =	vld.idx.msk [tilespmem:v0+s3+$0x0 ss:$0x1], $0xffff  }
0x3e: {  	s1 =	rddreg [dreg:$0x8];
	v7 =	vld.idx.msk [tilespmem:v0+s17+$0x0 ss:$0x1], $0xffff;
	s14 =	sor.u32 s25, s14;
	[tilespmem:v1+s24+$0x0 ss:$0x1] =	vst.idx.msk $0xffff, v2  }
0x3f: {  	s5 =	sor.u32 $0x400, s7;
	v9 =	vld.idx.msk [tilespmem:v0+s14+$0x0 ss:$0x1], $0xffff;
	[tilespmem:v1+s7+$0x0 ss:$0x1] =	vst.idx.msk $0xffff, v3  }
0x40: {  	s31 =	sor.u32 s28, s0;
	v8 =	vld.idx.msk [tilespmem:v0+s5+$0x0 ss:$0x1], $0xffff;
	s24 =	sor.u32 s27, s9;
	s4 =	rddreg [dreg:$0x9]  }
0x41: {  	s26 =	sor.u32 s26, s9;
	v2 =	vld.idx.msk [tilespmem:v0+s31+$0x0 ss:$0x1], $0xffff;
	s30 =	sor.u32 s25, s24;
	s7 =	rddreg [dreg:$0x6];
	[tilespmem:v1+s29+$0x0 ss:$0x1] =	vst.idx.msk $0xffff, v4  }
0x42: {  	s26 =	sor.u32 s25, s26;
	v3 =	vld.idx.msk [tilespmem:v0+s30+$0x0 ss:$0x1], $0xffff;
	s28 =	rddreg [dreg:$0x2];
	[tilespmem:v1+s8+$0x0 ss:$0x1] =	vst.idx.msk $0xffff, v5  }
0x43: {  	p0 =	por p1, p1;
	s1 =	sor.u32 s1, s9;
	v4 =	vld.idx.msk [tilespmem:v0+s26+$0x0 ss:$0x1], $0xffff;
	s2 =	sor.u32 s4, s0;
	[tilespmem:v1+s3+$0x0 ss:$0x1] =	vst.idx.msk $0xffff, v6  }
0x44: {  	s24 =	simm.s32 $0x100;
	s8 =	sor.u32 s7, s9;
	s7 =	sor.u32 s25, s1;
	[tilespmem:v1+s17+$0x0 ss:$0x1] =	vst.idx.msk $0xffff, v7;
	v5 =	vld.idx.msk [tilespmem:v0+s2+$0x0 ss:$0x1], $0xffff  }
0x45: {  	s17 =	sor.u32 s6, s9;
	[tilespmem:v1+s5+$0x0 ss:$0x1] =	vst.idx.msk $0xffff, v8;
	s28 =	sor.u32 s28, s9;
	s4 =	sor.u32 s25, s8;
	v6 =	vld.idx.msk [tilespmem:v0+s7+$0x0 ss:$0x1], $0xffff  }
0x46: {  	[tilespmem:v1+s14+$0x0 ss:$0x1] =	vst.idx.msk $0xffff, v9;
	s29 =	sor.u32 s25, s17;
	s9 =	sor.u32 s25, s28;
	v7 =	vld.idx.msk [tilespmem:v0+s4+$0x0 ss:$0x1], $0xffff;
	s25 =	simm.s32 $0x80  }
.LBB1_4:
0x47: {  	s0 =	sand.u32 $0x1800, s24;
	s1 =	sand.u32 $0x380, s25  }
0x48: {  	v8 =	vld.idx.msk [tilespmem:v0+s29+$0x0 ss:$0x1], $0xffff;
	s27 =	sand.u32 $0x80, s25;
	s0 =	sor.u32 s1, s0;
	[tilespmem:v1+s31+$0x0 ss:$0x1] =	vst.idx.msk $0xffff, v2  }
0x49: {  	s5 =	sor.u32 s19, s27;
	s28 =	sand.u32 $0x1B00, s0;
	s6 =	sor.u32 s20, s0;
	v2 =	vld.idx.msk [tilespmem:v0+s9+$0x0 ss:$0x1], $0xffff;
	[tilespmem:v1+s30+$0x0 ss:$0x1] =	vst.idx.msk $0xffff, v3  }
0x4a: {  	s17 =	rddreg [dreg:$0xb];
	s5 =	sor.u32 s28, s5;
	[tilespmem:v1+s26+$0x0 ss:$0x1] =	vst.idx.msk $0xffff, v4;
	v3 =	vld.idx.msk [tilespmem:v0+s6+$0x0 ss:$0x1], $0xffff  }
0x4b: {  	s3 =	rddreg [dreg:$0x3];
	s1 =	sor.u32 s17, s0;
	s17 =	sor.u32 s22, s0;
	[tilespmem:v1+s2+$0x0 ss:$0x1] =	vst.idx.msk $0xffff, v5;
	v4 =	vld.idx.msk [tilespmem:v0+s5+$0x0 ss:$0x1], $0xffff  }
0x4c: {  	s3 =	sor.u32 s3, s27;
	s8 =	sor.u32 s23, s0;
	[tilespmem:v1+s7+$0x0 ss:$0x1] =	vst.idx.msk $0xffff, v6;
	s7 =	rddreg [dreg:$0x5];
	v6 =	vld.idx.msk [tilespmem:v0+s17+$0x0 ss:$0x1], $0xffff  }
0x4d: {  	s3 =	sor.u32 s28, s3;
	[tilespmem:v1+s4+$0x0 ss:$0x1] =	vst.idx.msk $0xffff, v7;
	s4 =	rddreg [dreg:$0x7];
	v7 =	vld.idx.msk [tilespmem:v0+s8+$0x0 ss:$0x1], $0xffff  }
0x4e: {  	s2 =	sor.u32 s21, s0;
	s26 =	rddreg [dreg:$0xa];
	v10 =	vld.idx.msk [tilespmem:v0+s3+$0x0 ss:$0x1], $0xffff;
	[tilespmem:v1+s29+$0x0 ss:$0x1] =	vst.idx.msk $0xffff, v8  }
0x4f: {  	v5 =	vld.idx.msk [tilespmem:v0+s2+$0x0 ss:$0x1], $0xffff;
	s4 =	sor.u32 s4, s27;
	s29 =	rddreg [dreg:$0x8];
	[tilespmem:v1+s9+$0x0 ss:$0x1] =	vst.idx.msk $0xffff, v2  }
0x50: {  	s14 =	sor.u32 $0x400, s5;
	v8 =	vld.idx.msk [tilespmem:v0+s1+$0x0 ss:$0x1], $0xffff;
	s30 =	sor.u32 s28, s4;
	s4 =	rddreg [dreg:$0x2];
	[tilespmem:v1+s6+$0x0 ss:$0x1] =	vst.idx.msk $0xffff, v3  }
0x51: {  	v9 =	vld.idx.msk [tilespmem:v0+s14+$0x0 ss:$0x1], $0xffff;
	s31 =	sor.u32 s26, s0;
	s9 =	rddreg [dreg:$0x4];
	[tilespmem:v1+s5+$0x0 ss:$0x1] =	vst.idx.msk $0xffff, v4  }
0x52: {  	p1 =	sne.s32 s24, $0x1F00;
	s7 =	sor.u32 s7, s27;
	s5 =	rddreg [dreg:$0x9];
	v2 =	vld.idx.msk [tilespmem:v0+s31+$0x0 ss:$0x1], $0xffff;
	[tilespmem:v1+s17+$0x0 ss:$0x1] =	vst.idx.msk $0xffff, v6  }
.Ltmp3:
0x53: {  	s26 =	sor.u32 s28, s7;
	s6 =	rddreg [dreg:$0x6];
	v3 =	vld.idx.msk [tilespmem:v0+s30+$0x0 ss:$0x1], $0xffff;
	[tilespmem:v1+s8+$0x0 ss:$0x1] =	vst.idx.msk $0xffff, v7;
	(pc) =	sbr.rel @p1 .LBB1_4-.Ltmp3, $4  }
0x54: {  	v4 =	vld.idx.msk [tilespmem:v0+s26+$0x0 ss:$0x1], $0xffff;
	[tilespmem:v1+s2+$0x0 ss:$0x1] =	vst.idx.msk $0xffff, v5;
	s7 =	sor.u32 s9, s27;
	s9 =	sor.u32 s29, s27;
	s2 =	sor.u32 s5, s0  }
0x55: {  	[tilespmem:v1+s3+$0x0 ss:$0x1] =	vst.idx.msk $0xffff, v10;
	s17 =	sor.u32 s6, s27;
	s29 =	sor.u32 s28, s7;
	s7 =	sor.u32 s28, s9;
	v5 =	vld.idx.msk [tilespmem:v0+s2+$0x0 ss:$0x1], $0xffff  }
0x56: {  	[tilespmem:v1+s1+$0x0 ss:$0x1] =	vst.idx.msk $0xffff, v8;
	s27 =	sor.u32 s4, s27;
	s4 =	sor.u32 s28, s17;
	v6 =	vld.idx.msk [tilespmem:v0+s7+$0x0 ss:$0x1], $0xffff  }
0x57: {  	s24 =	sadd.s32 $0x100, s24;
	s25 =	sadd.s32 $0x80, s25;
	[tilespmem:v1+s14+$0x0 ss:$0x1] =	vst.idx.msk $0xffff, v9;
	s9 =	sor.u32 s28, s27;
	v7 =	vld.idx.msk [tilespmem:v0+s4+$0x0 ss:$0x1], $0xffff  }
0x58: {  	_ =	sdelay $0x3  }
0x59: {  	[tilespmem:v1+s31+$0x0 ss:$0x1] =	vst.idx.msk $0xffff, v2  }
0x5a: {  	v2 =	vld.idx.msk [tilespmem:v0+s29+$0x0 ss:$0x1], $0xffff;
	[tilespmem:v1+s30+$0x0 ss:$0x1] =	vst.idx.msk $0xffff, v3  }
0x5b: {  	v3 =	vld.idx.msk [tilespmem:v0+s9+$0x0 ss:$0x1], $0xffff;
	[tilespmem:v1+s26+$0x0 ss:$0x1] =	vst.idx.msk $0xffff, v4  }
.Ltmp4:
0x5c: {  	[tilespmem:v1+s2+$0x0 ss:$0x1] =	vst.idx.msk $0xffff, v5;
	(pc) =	sbr.rel @p0 .LBB1_3-.Ltmp4, $4  }
0x5d: {  	[tilespmem:v1+s7+$0x0 ss:$0x1] =	vst.idx.msk $0xffff, v6  }
0x5e: {  	[tilespmem:v1+s4+$0x0 ss:$0x1] =	vst.idx.msk $0xffff, v7  }
0x5f: {  	[tilespmem:v1+s29+$0x0 ss:$0x1] =	vst.idx.msk $0xffff, v2  }
0x60: {  	s19 =	simm.s32 $0x2000;
	p1 =	por $0x0, $0x0;
	[tilespmem:v1+s9+$0x0 ss:$0x1] =	vst.idx.msk $0xffff, v3  }
0x61: {  	s2 =	rddreg [dreg:$0x10]  }
0x62: {  	s29 =	rddreg [dreg:$0x12]  }
0x63: {  	s31 =	rddreg [dreg:$0x13]  }
0x64: {  	s0 =	smul.u32 $0x38000, s16;
	s5 =	rddreg [dreg:$0xc]  }
.Ltmp5:
0x65: {  	s6 =	rddreg [dreg:$0xd];
	(pc) =	sbr.rel .LBB1_7-.Ltmp5, $4  }
0x66: {  	s1 =	sshll.u32 s15, $0xA;
	s8 =	rddreg [dreg:$0xe];
	s0 =	sadd.s32 s2, s0  }
0x67: {  	s9 =	rddreg [dreg:$0xf];
	s2 =	sshll.u32 s29, $0xF;
	s0 =	sadd.s32 s1, s0  }
0x68: {  	s30 =	simm.s32 $0x0;
	s14 =	rddreg [dreg:$0x11];
	s0 =	sadd.s32 s2, s0  }
0x69: {  	[hbm4b:s0+s30] =	stream.linear.scatter [tilespmem:s31], [sflag:$0x2], $0x4000, $0x38;
	[tilespmem:$0x10000] =	vst v63  }
.LBB1_8:
0x6a: {  	_ =	sfence.sel $0x180000  }
0x6b: {  	s0 =	simm.s32 $0x1;
	[bflag:$0x0] =	sbarrier.arrive $0xFFFF  }
0x6c: {  	s30 =	simm.s32 $0x2;
	[sflag:s0] =	ssyncpa.u1 $0x1  }
0x6d: {  	[sflag:s30] =	ssyncpa.u1 $0x1  }
0x6e: {  	_ =	strace $0x90000047  }
0x6f: {  	s31 =	stileid.u32;
	[bflag:$0x2] =	sbarrier.arrive $0xFFFF  }
0x70: {  	p0 =	sne.s32 s31, $0x0;
	s0 =	rddreg [dreg:$0x1]  }
0x71: {  	s0 =	sadd.s32 @!p0 $0x100000, s0  }
0x72: {  	[sflag:s0] =	ssyncadd.tile.s32 @!p0 $0x1;
	_ =	shalt  }
.Lfunc_end1:
_tile_overlayer_lowered:
.L_overlay_start_2:
0x73: {  	(tag) =	ssettag $0x2  }
0x74: {  	s0 =	rddreg [dreg:$0x0];
	s2 =	stileid.u32  }
0x75: {  	s1 =	rddreg [dreg:$0x1];
	p0 =	sne.s32 s2, $0x0  }
0x76: {  	s3 =	rddreg [dreg:$0x2];
	[bflag:$0x3] =	sbarrier.arrive $0xFFFF;
	s2 =	simm.s32 @!p0 $0x1C01  }
0x77: {  	[timem:s3], [sflag:s2] =	dma.local @!p0 [hbm:s0], s1  }
0x78: {  	s0 =	simm.s32 @!p0 $0x1  }
0x79: {  	_ =	swait.ge @!p0 [sflag:s0], s1  }
0x7a: {  	s1 =	ssub.s32 @!p0 $0x0, s1;
	[sflag:s0] =	ssyncset.done @!p0 $0x0  }
0x7b: {  	[sflag:s0] =	ssyncadd.s32 @!p0 s1  }
0x7c: {  	[bflag:$0x3] =	sbarrier.arrive $0xFFFF  }
0x7d: {  	_ =	shalt  }

// kernel: sparse-core-data-format-call.cloned.1.call-start
scs
called_computation_lowered:
.L_overlay_start_0:
0x0: {  	s2 =	sld [smem:$0x3FD9]  }
0x1: {  	s3 =	sld [smem:$0x3FFE];
	_ =	sdelay $0x1  }
0x2: {  	s1 =	srdreg.scid  }
0x3: {  	s0 =	sand.u32 $0x1, s1  }
0x4: {  	s18 =	sshll.u32 s0, $0xA;
	s2 =	sadd.s32 s3, s2  }
0x5: {  	s2 =	sadd.s32 s2, s18  }
0x6: {  	[smem:$0x3FC3] =	sst s2  }
0x7: {  	_ = 	snop  }
0x8: {  	s2 =	sld [smem:$0x3FD0];
	(tm) =	ssettm $0x1  }
0x9: {  	s19 =	sld [smem:$0x3FFB];
	_ =	sdelay $0x3  }
0xa: {  	_ =	strace s19  }
0xb: {  	s3 =	sld [smem:$0x3FFC];
	_ =	sdelay $0x3  }
0xc: {  	_ =	strace s3  }
0xd: {  	s3 =	sld [smem:$0x3FFD];
	_ =	sdelay $0x3  }
0xe: {  	_ =	strace s3  }
0xf: {  	_ =	strace $0x8FFFFFFF  }
0x10: {  	s20 =	sld [smem:$0x3FDB];
	_ =	sdelay $0x1  }
0x11: {  	s4 =	simm.s32 $_scs_section_size  }
0x12: {  	s5 =	simm.s32 $_size__tile_overlayer_lowered;
	s6 =	simm.s32 $_tile_overlayer_lowered  }
0x13: {  	s23 =	simm.s32 $0x1BFF;
	s22 =	sshll.u32 s6, $0x1;
	s3 =	sadd.s32 s4, s20  }
0x14: {  	s7 =	simm.s32 $0x0;
	s21 =	sshll.u32 s5, $0x1;
	s5 =	sadd.s32 s22, s3  }
0x15: {  	[timem:s7], [sflag:s23] =	dma.local [hbm:s5], s21  }
0x16: {  	_ =	swait.ge [sflag:s23], s21  }
0x17: {  	s4 =	ssub.s32 $0x0, s21;
	[sflag:s23] =	ssyncset.done $0x0  }
0x18: {  	[sflag:s23] =	ssyncadd.s32 s4;
	_ =	sdelay $0x1  }
0x19: {  	s24 =	simm.s32 $0x1B8B  }
0x1a: {  	_ =	swait.ge [sflag:s24], $0x1  }
0x1b: {  	[sflag:s24] =	ssyncset.done $0x0  }
0x1c: {  	s26 =	simm.s32 $0x1B8E;
	s25 =	sld [smem:$0x3FFE];
	[sflag:s24] =	ssyncadd.s32 $0xFFFFFFFF  }
0x1d: {  	s27 =	simm.s32 $execute0_lowered;
	[smem:$0x3FD2] =	sst s26  }
0x1e: {  	s5 =	sshll.u32 s27, $0x1;
	_ =	strace $0x8000004C;
	[dreg:$0x1] =	wrdreg $0xFFFFFFFF  }
0x1f: {  	s28 =	simm.s32 $_size_execute0_lowered;
	s3 =	sadd.s32 s3, s5;
	[dreg:$0x0] =	wrdreg $0x0  }
0x20: {  	s5 =	sshll.u32 s28, $0x1;
	[dreg:$0x2] =	wrdreg s3  }
0x21: {  	[dreg:$0x3] =	wrdreg s5  }
0x22: {  	[dreg:$0x4] =	wrdreg $0xC0  }
0x23: {  	_ =	task [dreg:s7], $0x5FFFF  }
0x24: {  	[dreg:$0x1] =	wrdreg $0xFFFFFFFF  }
0x25: {  	[dreg:$0x0] =	wrdreg $0x60  }
0x26: {  	[dreg:$0x2] =	wrdreg s25  }
0x27: {  	[dreg:$0x3] =	wrdreg s2  }
0x28: {  	[dreg:$0x4] =	wrdreg $0x9  }
0x29: {  	_ =	task.clear_ibuf [dreg:s7], $0x5FFFF;
	_ =	strace $0x9000004C  }
0x2a: {  	s29 =	simm.s32 $0x9;
	_ =	strace $0x8000004E  }
0x2b: {  	_ =	swait.ge [sflag:s29], $0x1  }
0x2c: {  	[sflag:s29] =	ssyncadd.s32 $0xFFFFFFFF  }
0x2d: {  	_ =	strace $0x9000004E  }
0x2e: {  	_ =	sfence  }
0x2f: {  	s30 =	sld [smem:$0x0];
	_ =	sdelay $0x2  }
0x30: {  	s31 =	sshll.u32 s1, $0xD;
	s1 =	sshrl.u32 s1, $0x2  }
0x31: {  	s3 =	sand.u32 $0x4000, s31;
	s1 =	sadd.s32 s1, s30  }
0x32: {  	s0 =	sor.u32 s3, s0;
	s1 =	sshll.u32 s1, $0x11  }
0x33: {  	s0 =	sor.u32 s1, s0  }
0x34: {  	s0 =	sadd.s32 $0x8F2B, s0  }
0x35: {  	[sflag:s0] =	ssyncadd.remote.s32 $0x1  }
0x36: {  	_ =	sfence.sel $0xFFFF  }
0x37: {  	[dreg:$0x0] =	wrdreg $0xFFFFFFFF;
	(pc) =	sbr.abs _section_cstart, $3  }
0x38: {  	[dreg:$0x1] =	wrdreg $0xFFFFFFFF  }
0x39: {  	_ =	task.clear_ibuf [dreg:s7], $0x2FFFF;
	_ =	strace $0x9FFFFFFF  }
0x3a: {  	(tm) =	ssettm $0x7FFFFFFF  }
0x3b: {  	_ =	shalt  }
tec
execute0_lowered:
.L_overlay_start_1:
0x0: {  	(tag) =	ssettag $0x1  }
0x1: {  	s0 =	rddreg [dreg:$0x0];
	s1 =	srdreg.scid  }
0x2: {  	_ =	strace $0x8000004D;
	s30 =	stileid.u32;
	s2 =	simm.s32 $0x1  }
0x3: {  	s31 =	simm.s32 $0x2;
	s17 =	simm.s32 $0x0;
	p0 =	por $0x0, $0x0  }
0x4: {  	s16 =	simm.s32 $0x0;
	s18 =	simm.s32 $0x0;
	s9 =	simm.s32 $0x0  }
.Ltmp0:
0x5: {  	s11 =	simm.s32 $0x0;
	s12 =	simm.s32 $0x0;
	(pc) =	sbr.rel .LBB1_1-.Ltmp0, $4  }
0x6: {  	s13 =	simm.s32 $0x0;
	s14 =	simm.s32 $0x0;
	s29 =	sshll.u32 s1, $0x4  }
0x7: {  	s10 =	simm.s32 $0x0;
	s7 =	sadd.s32 $0x188800, s0;
	s0 =	sand.u32 $0x10, s29  }
0x8: {  	[sflag:s2] =	ssyncpa.u1 $0x0;
	[dreg:$0x3] =	wrdreg s7;
	s8 =	sor.u32 s30, s0  }
0x9: {  	[sflag:s31] =	ssyncpa.u1 $0x0;
	s15 =	smov.u32 s8;
	[dreg:$0x4] =	wrdreg s8  }
.LBB1_14:
0xa: {  	s0 =	rddreg [dreg:$0x12]  }
0xb: {  	s12 =	rddreg [dreg:$0x8]  }
0xc: {  	s11 =	rddreg [dreg:$0x7]  }
0xd: {  	s9 =	rddreg [dreg:$0x5]  }
0xe: {  	s5 =	rddreg [dreg:$0x10]  }
0xf: {  	s6 =	rddreg [dreg:$0x11]  }
0x10: {  	s7 =	rddreg [dreg:$0xf]  }
0x11: {  	s27 =	rddreg [dreg:$0x1]  }
0x12: {  	s8 =	rddreg [dreg:$0x4]  }
0x13: {  	s10 =	rddreg [dreg:$0x6]  }
0x14: {  	s13 =	rddreg [dreg:$0x9]  }
0x15: {  	s14 =	rddreg [dreg:$0xa]  }
0x16: {  	s15 =	rddreg [dreg:$0xb]  }
0x17: {  	s16 =	rddreg [dreg:$0xc]  }
0x18: {  	s31 =	simm.s32 $0xE000;
	s17 =	rddreg [dreg:$0xd]  }
0x19: {  	s18 =	rddreg [dreg:$0xe];
	s0 =	smul.u32 $0x10200, s0;
	s1 =	sshll.u32 s12, $0x8  }
0x1a: {  	s2 =	sshll.u32 s11, $0x3;
	s3 =	sshll.u32 s12, $0x7;
	p1 =	sgt.s32 s11, $0x80  }
0x1b: {  	s4 =	smov.u32 s11;
	s25 =	sand.u32 $0x78, s11;
	s26 =	smul.u32 $0x1C00, s9  }
0x1c: {  	s28 =	sand.u32 $0x7, s11;
	s1 =	sand.u32 $0xFFFFF800, s1;
	s2 =	sand.u32 $0xFFFFFC00, s2  }
0x1d: {  	s21 =	sand.u32 $0x300, s3;
	s4 =	simm.s32 @!p1 $0x80;
	p1 =	sgt.s32 s9, $0x40  }
0x1e: {  	s3 =	sand.u32 $0x80, s3;
	s29 =	sshll.u32 s28, $0x12;
	s0 =	sshrl.u32 s0, $0x2  }
0x1f: {  	s1 =	sadd.s32 s1, s2;
	s2 =	smov.u32 s9;
	s4 =	sadd.s32 s5, s4  }
0x20: {  	s1 =	sor.u32 s21, s1;
	s2 =	simm.s32 @!p1 $0x40;
	s23 =	sadd.s32 $0xFFFFFF80, s4  }
0x21: {  	s4 =	ssub.s32 $0x100, s4;
	s1 =	sshrl.u32 s1, $0x8;
	p1 =	sgt.s32 s23, $0x7F  }
0x22: {  	s2 =	sadd.s32 s6, s2;
	s22 =	smulhi.u32 $0x124924A, s1;
	s4 =	simm.s32 @p1 $0x0  }
0x23: {  	s3 =	sor.u32 s25, s3;
	s24 =	sadd.s32 $0xFFFFFFC0, s2;
	s4 =	smul.u32 s7, s4  }
0x24: {  	s2 =	ssub.s32 $0xC0, s2;
	p1 =	sgt.s32 s24, $0x7F;
	s5 =	smul.u32 $0xE0, s22  }
0x25: {  	s30 =	sor.u32 $0x80, s29;
	s3 =	sshrl.u32 s3, $0x3;
	s2 =	simm.s32 @p1 $0x0  }
0x26: {  	s2 =	smul.u32 s2, s4;
	s4 =	sadd.s32 s27, s26;
	s1 =	ssub.s32 s1, s5  }
0x27: {  	s0 =	sor.u32 $0x8000, s0;
	s3 =	sadd.s32 s3, s4;
	s1 =	sshll.u32 s1, $0x5  }
0x28: {  	s7 =	rddreg [dreg:$0x3];
	s2 =	sand.u32 $0x3FFFFFFF, s2;
	s1 =	sadd.s32 s1, s3  }
0x29: {  	[hbm4b:s1+s30] =	stream.strided.scatter [tilespmem:s0], [sflag:$0x2], s2, s31, s30, $0x20;
	[tilespmem:$0x10100] =	vst v63  }
.LBB1_15:
0x2a: {  	p1 =	slt.u32 s10, $0x2;
	s1 =	smov.u32 s18;
	s3 =	smov.u32 s17  }
0x2b: {  	p2 =	sgt.s32 @!p1 s17, $0x40;
	s0 =	sshra.s32 @!p1 s17, $0x1F;
	p3 =	sgt.s32 @!p1 s18, $0xDF  }
0x2c: {  	s2 =	sshra.s32 @!p1 s18, $0x1F;
	s4 =	sshra.s32 @!p1 s16, $0x1F;
	p2 =	por !p2, p1  }
0x2d: {  	s0 =	sand.u32 @!p1 s0, s17;
	p3 =	por !p3, p1;
	s2 =	sand.u32 @!p1 s2, s18  }
0x2e: {  	s1 =	simm.s32 @p3 $0xDF;
	p3 =	sgt.s32 @!p1 s16, $0x80;
	s3 =	simm.s32 @p2 $0x40  }
0x2f: {  	s1 =	ssub.s32 @!p1 s1, s2;
	p3 =	por !p3, p1;
	s2 =	smov.u32 s16  }
0x30: {  	s4 =	sand.u32 @!p1 s4, s16;
	s0 =	ssub.s32 @!p1 s3, s0;
	s2 =	simm.s32 @p3 $0x80  }
0x31: {  	s3 =	sadd.s32 @!p1 $0xFFFFFF21, s1;
	s1 =	ssub.s32 @!p1 $0xE0, s1;
	s2 =	ssub.s32 @!p1 s2, s4  }
0x32: {  	s4 =	sadd.s32 @!p1 $0xFFFFFFC0, s0;
	p2 =	sgt.s32 @!p1 s3, $0x0;
	s3 =	sadd.s32 @!p1 $0xFFFFFF80, s2  }
0x33: {  	s0 =	ssub.s32 @!p1 $0xC0, s0;
	p2 =	por !p2, p1;
	p3 =	sgt.s32 @!p1 s3, $0x7F  }
0x34: {  	s2 =	ssub.s32 @!p1 $0x100, s2;
	s1 =	simm.s32 @!p2 $0x0;
	p2 =	por !p3, p1  }
0x35: {  	s3 =	sadd.s32 $0x80, s14;
	p3 =	sgt.s32 @!p1 s4, $0x7F;
	s2 =	simm.s32 @!p2 $0x0  }
0x36: {  	p2 =	por !p3, p1;
	s1 =	smul.u32 @!p1 s1, s2;
	s2 =	sadd.s32 $0x80, s13  }
0x37: {  	s4 =	smov.u32 s14;
	s0 =	simm.s32 @!p2 $0x0;
	p2 =	sgt.s32 s2, $0xBF  }
0x38: {  	s0 =	smul.u32 @!p1 s0, s1;
	s4 =	smov.u32 @p2 s3  }
0x39: {  	s1 =	sadd.s32 $0x20, s15;
	s3 =	smov.u32 s15;
	p3 =	sgt.s32 s4, $0xDF  }
0x3a: {  	s10 =	sadd.s32 $0x1, s10;
	p0 =	por !p0, !p0;
	s3 =	smov.u32 @p3 s1  }
0x3b: {  	s17 =	smov.u32 s9;
	s2 =	simm.s32 @p2 $0x0;
	p2 =	sgt.s32 s3, $0xDF  }
0x3c: {  	s18 =	smov.u32 s12;
	s3 =	smov.u32 @p2 s8;
	p2 =	sne.s32 s10, $0x1E  }
.Ltmp1:
0x3d: {  	s9 =	smov.u32 s13;
	s12 =	smov.u32 s15;
	(pc) =	sbr.rel @!p2 .LBB1_16-.Ltmp1, $4  }
0x3e: {  	s16 =	smov.u32 s11;
	s0 =	sand.u32 @!p1 $0x3FFFFFFF, s0;
	s1 =	simm.s32 @!p1 $0x2  }
0x3f: {  	s11 =	smov.u32 s14;
	s13 =	smov.u32 s2;
	_ =	swait.ge @!p1 [sflag:s1], s0  }
0x40: {  	s4 =	simm.s32 @p3 $0x0;
	s0 =	ssub.s32 @!p1 $0x0, s0;
	[sflag:s1] =	ssyncset.done @!p1 $0x0  }
0x41: {  	s14 =	smov.u32 s4;
	[sflag:s1] =	ssyncadd.s32 @!p1 s0;
	s15 =	smov.u32 s3  }
.LBB1_1:
0x42: {  	p1 =	sgt.u32 s10, $0x1B  }
0x43: {  	s2 =	smov.u32 s15;
	s0 =	sshll.u32 @!p1 s14, $0x8;
	s1 =	sshll.u32 @!p1 s13, $0x3  }
0x44: {  	p2 =	sgt.s32 @!p1 s15, $0xDF;
	s3 =	sshra.s32 @!p1 s15, $0x1F;
	s4 =	sshll.u32 @!p1 s14, $0x7  }
0x45: {  	p3 =	sgt.s32 @!p1 s14, $0x60;
	s5 =	sshra.s32 @!p1 s13, $0x1F;
	s0 =	sand.u32 @!p1 $0xFFFFF800, s0  }
0x46: {  	s1 =	sand.u32 @!p1 $0xFFFFFC00, s1;
	p2 =	por !p2, p1;
	s3 =	sand.u32 @!p1 s3, s15  }
0x47: {  	p3 =	por !p3, p1;
	s5 =	sand.u32 @!p1 s5, s13;
	s2 =	simm.s32 @p2 $0xDF  }
0x48: {  	s0 =	sadd.s32 @!p1 s0, s1;
	s1 =	sand.u32 @!p1 $0x300, s4;
	s2 =	ssub.s32 @!p1 s2, s3  }
0x49: {  	s0 =	sor.u32 @!p1 s1, s0;
	s3 =	sshra.s32 @!p1 s14, $0x1F;
	s1 =	sadd.s32 @!p1 $0xFFFFFF21, s2  }
0x4a: {  	p2 =	sgt.s32 @!p1 s1, $0x0;
	s1 =	ssub.s32 @!p1 $0xE0, s2;
	s2 =	smov.u32 s14  }
0x4b: {  	s3 =	sand.u32 @!p1 s3, s14;
	s2 =	simm.s32 @p3 $0x60;
	p3 =	sgt.s32 @!p1 s13, $0x80  }
0x4c: {  	s2 =	ssub.s32 @!p1 s2, s3;
	p3 =	por !p3, p1;
	s3 =	smov.u32 s13  }
0x4d: {  	p2 =	por !p2, p1;
	s6 =	sadd.s32 @!p1 $0xFFFFFFA0, s2;
	s3 =	simm.s32 @p3 $0x80  }
0x4e: {  	s1 =	simm.s32 @!p2 $0x0;
	p3 =	sgt.s32 @!p1 s6, $0x7F;
	s3 =	ssub.s32 @!p1 s3, s5  }
0x4f: {  	s2 =	ssub.s32 @!p1 $0xE0, s2;
	p2 =	por !p3, p1;
	s5 =	sadd.s32 @!p1 $0xFFFFFF80, s3  }
0x50: {  	s0 =	sshrl.u32 @!p1 s0, $0x8;
	s2 =	simm.s32 @!p2 $0x0;
	p2 =	sgt.s32 @!p1 s5, $0x7F  }
0x51: {  	s1 =	smul.u32 @!p1 s1, s2;
	s2 =	ssub.s32 @!p1 $0x100, s3;
	p2 =	por !p2, p1  }
0x52: {  	s3 =	smulhi.u32 @!p1 $0x124924A, s0;
	s2 =	simm.s32 @!p2 $0x0  }
0x53: {  	s4 =	sand.u32 @!p1 $0x80, s4;
	s1 =	smul.u32 @!p1 s2, s1  }
0x54: {  	s5 =	sxor.u32 @!p1 $0xFFFFFFFF, s10;
	s2 =	sand.u32 @!p1 $0x78, s13;
	s3 =	smul.u32 @!p1 $0xE0, s3  }
0x55: {  	s5 =	sshll.u32 @!p1 s5, $0xE;
	s2 =	sor.u32 @!p1 s2, s4;
	s4 =	smul.u32 @!p1 $0x1C00, s15  }
0x56: {  	s5 =	sand.u32 @!p1 $0x4000, s5;
	s0 =	ssub.s32 @!p1 s0, s3;
	s1 =	sand.u32 @!p1 $0x3FFFFFFF, s1  }
0x57: {  	s2 =	sshrl.u32 @!p1 s2, $0x3;
	s3 =	sadd.s32 @!p1 s7, s4;
	s4 =	sand.u32 @!p1 $0x7, s13  }
0x58: {  	s0 =	sshll.u32 @!p1 s0, $0x5;
	s2 =	sadd.s32 @!p1 s2, s3;
	s3 =	sshll.u32 @!p1 s4, $0x12  }
0x59: {  	s0 =	sadd.s32 @!p1 s0, s2;
	s2 =	sor.u32 @!p1 $0x400, s3;
	s3 =	simm.s32 @!p1 $0x800  }
0x5a: {  	[tilespmem:s5], [sflag:$0x1] =	stream.strided.gather @!p1 [hbm4b:s0+s2], s1, s3, s2, $0x38;
	[tilespmem:$0x10100] =	vst v63  }
0x5b: {  	p1 =	seq.s32 s10, $0x0  }
0x5c: {  	p2 =	seq.s32 @!p1 s10, $0x1D  }
0x5d: {  	p1 =	por p1, p2  }
.Ltmp2:
0x5e: {  	_ = 	snop;
	(pc) =	sbr.rel @p1 .LBB1_15-.Ltmp2, $1  }
0x5f: {  	_ =	sdelay $0x3  }
0x60: {  	[dreg:$0xe] =	wrdreg s18  }
0x61: {  	[dreg:$0xd] =	wrdreg s17  }
0x62: {  	[dreg:$0xc] =	wrdreg s16  }
0x63: {  	[dreg:$0xb] =	wrdreg s15  }
0x64: {  	[dreg:$0xa] =	wrdreg s14  }
0x65: {  	[dreg:$0x9] =	wrdreg s13;
	p1 =	sgt.s32 s12, $0xDF;
	s0 =	smov.u32 s12  }
0x66: {  	s1 =	sshra.s32 s12, $0x1F;
	s25 =	ssub.s32 $0x0, s11;
	s2 =	sshra.s32 s11, $0x1F  }
0x67: {  	s3 =	smov.u32 s11;
	p2 =	sgt.s32 s9, $0x80;
	s27 =	ssub.s32 $0x0, s9  }
0x68: {  	s28 =	sshra.s32 s9, $0x1F;
	s0 =	simm.s32 @!p1 $0xDF;
	s1 =	sand.u32 s1, s12  }
0x69: {  	p1 =	sgt.s32 s11, $0x60;
	s29 =	sand.u32 s27, s28;
	s0 =	ssub.s32 s0, s1  }
0x6a: {  	s1 =	sand.u32 s25, s2;
	s3 =	simm.s32 @!p1 $0x60;
	s2 =	smov.u32 s9  }
0x6b: {  	s4 =	sadd.s32 $0xFFFFFF21, s0;
	[dreg:$0x10] =	wrdreg s1;
	s1 =	sadd.s32 s1, s3  }
0x6c: {  	s5 =	ssub.s32 $0xE0, s0;
	s2 =	simm.s32 @!p2 $0x80;
	p1 =	sgt.s32 s4, $0x0  }
0x6d: {  	s26 =	sadd.s32 $0xFFFFFFA0, s1;
	s0 =	ssub.s32 $0xE0, s1;
	s1 =	sadd.s32 s29, s2  }
0x6e: {  	[dreg:$0x5] =	wrdreg s9;
	s5 =	simm.s32 @p1 $0x0;
	s2 =	sadd.s32 $0xFFFFFF80, s1  }
0x6f: {  	s1 =	ssub.s32 $0x100, s1;
	p1 =	sgt.s32 s2, $0x7F;
	s2 =	sadd.s32 $0x1, s12  }
0x70: {  	s3 =	sadd.s32 $0x80, s11;
	s1 =	simm.s32 @p1 $0x0;
	p1 =	slt.s32 s2, $0xE0  }
0x71: {  	p2 =	sgt.s32 s26, $0x7F;
	s2 =	simm.s32 @!p1 $0xE0;
	p1 =	slt.s32 s3, $0xE0  }
0x72: {  	s0 =	simm.s32 @p2 $0x0;
	s20 =	ssub.s32 s2, s12;
	s3 =	simm.s32 @!p1 $0xE0  }
0x73: {  	s0 =	smul.u32 s5, s0;
	s21 =	ssub.s32 s3, s11;
	p1 =	slt.s32 s20, $0x1  }
0x74: {  	[dreg:$0x8] =	wrdreg s12;
	p2 =	slt.s32 @!p1 s21, $0x1  }
0x75: {  	[dreg:$0x7] =	wrdreg s11;
	s0 =	smul.u32 s1, s0;
	p1 =	por p1, p2  }
.Ltmp3:
0x76: {  	[dreg:$0x11] =	wrdreg s29;
	(pc) =	sbr.rel @p1 .LBB1_14-.Ltmp3, $4  }
0x77: {  	s30 =	simm.s32 $0x1;
	[dreg:$0xf] =	wrdreg s5;
	s0 =	sand.u32 $0x3FFFFFFF, s0  }
0x78: {  	s31 =	sand.u32 $0x1, s10;
	_ =	swait.ge [sflag:s30], s0  }
0x79: {  	s0 =	ssub.s32 $0x0, s0;
	[dreg:$0x6] =	wrdreg s10;
	[sflag:s30] =	ssyncset.done $0x0  }
0x7a: {  	[dreg:$0x12] =	wrdreg s31;
	[sflag:s30] =	ssyncadd.s32 s0  }
0x7b: {  	s2 =	rddreg [dreg:$0x5]  }
0x7c: {  	s0 =	sadd.s32 $0x80, s2  }
0x7d: {  	p1 =	slt.s32 s0, $0xC0  }
0x7e: {  	s0 =	simm.s32 @!p1 $0xC0  }
0x7f: {  	s1 =	simm.s32 $0x1;
	s0 =	ssub.s32 s0, s2  }
0x80: {  	s1 =	simm.s32 @!p0 $0x0;
	s0 =	sadd.s32 $0xF, s0  }
0x81: {  	s1 =	smul.u32 $0x10200, s1;
	s22 =	sshrl.u32 s0, $0x8  }
0x82: {  	s3 =	smul.u32 $0x20400, s22  }
.Ltmp4:
0x83: {  	s31 =	rddreg [dreg:$0x12];
	s29 =	simm.s32 $0x0;
	(pc) =	sbr.rel .LBB1_4-.Ltmp4, $4  }
0x84: {  	s30 =	simm.s32 $0x0;
	s25 =	sshll.u32 s31, $0xE;
	s4 =	sshrl.u32 s1, $0x2  }
0x85: {  	s26 =	sadd.s32 $0xF8F0, s4;
	s23 =	sand.u32 $0xFFFFFFF0, s0;
	s1 =	sadd.s32 s1, s3  }
0x86: {  	s24 =	sand.u32 $0xFFFFFF00, s0;
	p1 =	slt.s32 s0, $0x100;
	s1 =	sshra.s32 s1, $0x2  }
0x87: {  	s28 =	sshll.u32 s22, $0xB;
	p2 =	sge.s32 s24, s23;
	s27 =	sadd.s32 $0x8000, s1  }
.LBB1_13:
0x88: {  	s30 =	sadd.s32 $0x1, s30  }
0x89: {  	p3 =	sne.s32 s30, s20  }
.Ltmp5:
0x8a: {  	_ = 	snop;
	(pc) =	sbr.rel @!p3 .LBB1_14-.Ltmp5, $2  }
0x8b: {  	_ =	sdelay $0x2  }
0x8c: {  	s29 =	sadd.s32 $0x1, s29  }
.LBB1_4:
.Ltmp6:
0x8d: {  	s0 =	sand.u32 $0x7, s29;
	(pc) =	sbr.rel .LBB1_5-.Ltmp6, $4  }
0x8e: {  	s1 =	sshll.u32 s30, $0x10;
	s0 =	smul.u32 $0x204, s0  }
0x8f: {  	s6 =	simm.s32 $0x0;
	s1 =	sshra.s32 s1, $0x2  }
0x90: {  	s4 =	simm.s32 $0x0;
	s31 =	sadd.s32 s1, s25;
	s2 =	sshrl.u32 s0, $0x2  }
0x91: {  	s0 =	sadd.s32 s2, s26;
	s1 =	sadd.s32 s2, s27;
	s2 =	simm.s32 $0x0  }
.LBB1_12:
0x92: {  	s4 =	sadd.s32 $0x1, s4  }
0x93: {  	p3 =	sne.s32 s4, s21  }
.Ltmp7:
0x94: {  	_ = 	snop;
	(pc) =	sbr.rel @!p3 .LBB1_13-.Ltmp7, $2  }
0x95: {  	_ =	sdelay $0x2  }
0x96: {  	s6 =	sadd.s32 $0x80, s6;
	s2 =	sadd.s32 $0x1, s2  }
.LBB1_5:
.Ltmp8:
0x97: {  	(pc) =	sbr.rel @p1 .LBB1_9-.Ltmp8, $2  }
0x98: {  	_ =	sdelay $0x2  }
0x99: {  	s5 =	sand.u32 $0x7F, s2;
	s3 =	sshll.u32 s4, $0x7  }
0x9a: {  	s14 =	sand.u32 $0x380, s3  }
0x9b: {  	s15 =	sadd.s32 s14, s31  }
0x9c: {  	s13 =	simm.s32 $0x480;
	s16 =	simm.s32 $0x700;
	s17 =	simm.s32 $0x500;
	v0 =	vmov s15  }
0x9d: {  	s19 =	simm.s32 $0x580;
	s22 =	simm.s32 $0x600;
	s10 =	simm.s32 $0x680  }
0x9e: {  	s12 =	sadd.s32 $0x780, s6;
	p3 =	sgt.s32 s24, $0x100;
	s16 =	sand.u32 $0x3C00, s16  }
0x9f: {  	s14 =	simm.s32 $0x780;
	s16 =	sadd.s32 s3, s16;
	s15 =	sand.u32 $0x3C00, s13  }
0xa0: {  	s17 =	sand.u32 $0x3C00, s17;
	s16 =	sand.u32 $0x3C00, s16;
	s15 =	sadd.s32 s3, s15  }
0xa1: {  	s19 =	sand.u32 $0x3C00, s19;
	s17 =	sadd.s32 s3, s17;
	s15 =	sand.u32 $0x3C00, s15;
	v3 =	vld.idx.msk [tilespmem:v0+s16+$0x60 ss:$0x1], $0xffff  }
0xa2: {  	s10 =	sand.u32 $0x3C00, s10;
	s19 =	sadd.s32 s3, s19;
	s8 =	sand.u32 $0x3C00, s17;
	v7 =	vld.idx.msk [tilespmem:v0+s15+$0x10 ss:$0x1], $0xffff  }
0xa3: {  	s7 =	sand.u32 $0x3C00, s22;
	s10 =	sadd.s32 s3, s10;
	s11 =	sand.u32 $0x3C00, s19;
	v1 =	vld.idx.msk [tilespmem:v0+s8+$0x20 ss:$0x1], $0xffff  }
.Ltmp9:
0xa4: {  	s9 =	sadd.s32 s3, s7;
	s10 =	sand.u32 $0x3C00, s10;
	v6 =	vld.idx.msk [tilespmem:v0+s11+$0x30 ss:$0x1], $0xffff;
	(pc) =	sbr.rel @!p3 .LBB1_8-.Ltmp9, $4  }
0xa5: {  	s13 =	sadd.s32 $0xFFFFF880, s12;
	s14 =	sand.u32 $0x3C00, s14;
	s16 =	sand.u32 $0x3C00, s9;
	v2 =	vld.idx.msk [tilespmem:v0+s10+$0x50 ss:$0x1], $0xffff  }
0xa6: {  	s18 =	sadd.s32 s5, s0;
	s17 =	sand.u32 $0x3C00, s13;
	s14 =	sadd.s32 s3, s14;
	v4 =	vld.idx.msk [tilespmem:v0+s16+$0x40 ss:$0x1], $0xffff  }
0xa7: {  	s22 =	simm.s32 $0x100;
	s19 =	sadd.s32 $0xFFFFFC80, s12;
	s14 =	sand.u32 $0x3C00, s14;
	v5 =	vld.idx.msk [tilespmem:v0+s17+$0x10 ss:$0x1], $0xffff;
	[tilespmem:s18+$0xFFFFF7F0 ss:$0x81] =	vst.msk $0xffff, v3  }
0xa8: {  	s15 =	simm.s32 $0xF80;
	s16 =	sand.u32 $0x3C00, s19;
	s19 =	smov.u32 s18;
	v3 =	vld.idx.msk [tilespmem:v0+s17+$0x0 ss:$0x1], $0xffff;
	[tilespmem:s18+$0xFFFFCFA0 ss:$0x81] =	vst.msk $0xffff, v7  }
.LBB1_7:
0xa9: {  	s10 =	sadd.s32 $0xFFFFFD00, s15;
	s7 =	sadd.s32 $0xFFFFFF80, s15;
	s22 =	sadd.s32 $0x100, s22;
	v7 =	vld.idx.msk [tilespmem:v0+s17+$0x20 ss:$0x1], $0xffff;
	[tilespmem:s18+$0xFFFFD7B0 ss:$0x81] =	vst.msk $0xffff, v1  }
0xaa: {  	s9 =	sadd.s32 $0xFFFFFD80, s15;
	s7 =	sand.u32 $0x3C00, s7;
	p3 =	slt.s32 s22, s24;
	v1 =	vld.idx.msk [tilespmem:v0+s17+$0x30 ss:$0x1], $0xffff;
	[tilespmem:s18+$0xFFFFDFC0 ss:$0x81] =	vst.msk $0xffff, v6  }
0xab: {  	s13 =	sadd.s32 $0xFFFFFE00, s15;
	s11 =	sadd.s32 $0xFFFFFE80, s15;
	s7 =	sadd.s32 s3, s7;
	v6 =	vld.idx.msk [tilespmem:v0+s17+$0x40 ss:$0x1], $0xffff;
	[tilespmem:s18+$0xFFFFE7D0 ss:$0x81] =	vst.msk $0xffff, v4  }
0xac: {  	s12 =	sadd.s32 $0xFFFFFF00, s15;
	s10 =	sand.u32 $0x3C00, s10;
	s7 =	sand.u32 $0x3C00, s7;
	v4 =	vld.idx.msk [tilespmem:v0+s17+$0x50 ss:$0x1], $0xffff;
	[tilespmem:s18+$0xFFFFEFE0 ss:$0x81] =	vst.msk $0xffff, v2  }
0xad: {  	s9 =	sand.u32 $0x3C00, s9;
	s13 =	sand.u32 $0x3C00, s13;
	s11 =	sand.u32 $0x3C00, s11;
	v2 =	vld.idx.msk [tilespmem:v0+s7+$0x60 ss:$0x1], $0xffff;
	[tilespmem:s18+$0xFFFF8710 ss:$0x81] =	vst.msk $0xffff, v3  }
0xae: {  	s8 =	sand.u32 $0x3C00, s15;
	s12 =	sand.u32 $0x3C00, s12;
	s7 =	sadd.s32 s15, s6;
	[tilespmem:s18+$0xFFFF8F20 ss:$0x81] =	vst.msk $0xffff, v5;
	v3 =	vld.idx.msk [tilespmem:v0+s17+$0x60 ss:$0x1], $0xffff  }
0xaf: {  	s10 =	sadd.s32 s3, s10;
	s9 =	sadd.s32 s3, s9;
	s13 =	sadd.s32 s3, s13;
	[tilespmem:s18+$0xFFFF9730 ss:$0x81] =	vst.msk $0xffff, v7;
	v5 =	vld.idx.msk [tilespmem:v0+s17+$0x70 ss:$0x1], $0xffff  }
0xb0: {  	s11 =	sadd.s32 s3, s11;
	s12 =	sadd.s32 s3, s12;
	s17 =	sadd.s32 $0xFFFFF880, s7;
	[tilespmem:s18+$0xFFFF9F40 ss:$0x81] =	vst.msk $0xffff, v1;
	v7 =	vld.idx.msk [tilespmem:v0+s16+$0x0 ss:$0x1], $0xffff  }
0xb1: {  	s8 =	sadd.s32 s3, s8;
	s10 =	sand.u32 $0x3C00, s10;
	s7 =	sadd.s32 $0xFFFFFC80, s7;
	[tilespmem:s18+$0xFFFFA750 ss:$0x81] =	vst.msk $0xffff, v6;
	v8 =	vld.idx.msk [tilespmem:v0+s14+$0x70 ss:$0x1], $0xffff  }
0xb2: {  	s9 =	sand.u32 $0x3C00, s9;
	s18 =	sadd.s32 $0x8100, s18;
	v9 =	vld.idx.msk [tilespmem:v0+s10+$0x10 ss:$0x1], $0xffff;
	s10 =	sand.u32 $0x3C00, s13;
	[tilespmem:s19+$0xFFFFAF60 ss:$0x81] =	vst.msk $0xffff, v4  }
0xb3: {  	s17 =	sand.u32 $0x3C00, s17;
	v1 =	vld.idx.msk [tilespmem:v0+s9+$0x20 ss:$0x1], $0xffff;
	s9 =	sand.u32 $0x3C00, s11;
	s11 =	sand.u32 $0x3C00, s12;
	[tilespmem:s18+$0xFFFFF7F0 ss:$0x81] =	vst.msk $0xffff, v2  }
.Ltmp10:
0xb4: {  	s16 =	sand.u32 $0x3C00, s7;
	s14 =	sand.u32 $0x3C00, s8;
	v6 =	vld.idx.msk [tilespmem:v0+s10+$0x30 ss:$0x1], $0xffff;
	[tilespmem:s19+$0xFFFFB770 ss:$0x81] =	vst.msk $0xffff, v3;
	(pc) =	sbr.rel @p3 .LBB1_7-.Ltmp10, $4  }
0xb5: {  	v4 =	vld.idx.msk [tilespmem:v0+s9+$0x40 ss:$0x1], $0xffff;
	[tilespmem:s19+$0xFFFFBF80 ss:$0x81] =	vst.msk $0xffff, v5  }
0xb6: {  	v2 =	vld.idx.msk [tilespmem:v0+s11+$0x50 ss:$0x1], $0xffff;
	[tilespmem:s19+$0xFFFFC790 ss:$0x81] =	vst.msk $0xffff, v7  }
0xb7: {  	v3 =	vld.idx.msk [tilespmem:v0+s17+$0x0 ss:$0x1], $0xffff;
	[tilespmem:s19+$0x0 ss:$0x81] =	vst.msk $0xffff, v8;
	s19 =	smov.u32 s18  }
0xb8: {  	s15 =	sadd.s32 $0x800, s15;
	v5 =	vld.idx.msk [tilespmem:v0+s17+$0x10 ss:$0x1], $0xffff;
	[tilespmem:s18+$0xFFFFCFA0 ss:$0x81] =	vst.msk $0xffff, v9  }
.LBB1_8:
0xb9: {  	_ =	sdelay $0x2  }
0xba: {  	[tilespmem:s18+$0xFFFFD7B0 ss:$0x81] =	vst.msk $0xffff, v1  }
0xbb: {  	v56 =	vld.idx.msk [tilespmem:v0+s17+$0x20 ss:$0x1], $0xffff;
	[tilespmem:s18+$0xFFFFDFC0 ss:$0x81] =	vst.msk $0xffff, v6  }
0xbc: {  	v57 =	vld.idx.msk [tilespmem:v0+s17+$0x30 ss:$0x1], $0xffff;
	[tilespmem:s18+$0xFFFFE7D0 ss:$0x81] =	vst.msk $0xffff, v4  }
0xbd: {  	v58 =	vld.idx.msk [tilespmem:v0+s17+$0x40 ss:$0x1], $0xffff;
	[tilespmem:s18+$0xFFFFEFE0 ss:$0x81] =	vst.msk $0xffff, v2  }
0xbe: {  	v59 =	vld.idx.msk [tilespmem:v0+s17+$0x50 ss:$0x1], $0xffff;
	[tilespmem:s18+$0xFFFF8710 ss:$0x81] =	vst.msk $0xffff, v3  }
0xbf: {  	v60 =	vld.idx.msk [tilespmem:v0+s17+$0x60 ss:$0x1], $0xffff;
	[tilespmem:s18+$0xFFFF8F20 ss:$0x81] =	vst.msk $0xffff, v5  }
0xc0: {  	v61 =	vld.idx.msk [tilespmem:v0+s17+$0x70 ss:$0x1], $0xffff;
	[tilespmem:s18+$0xFFFF9730 ss:$0x81] =	vst.msk $0xffff, v56  }
0xc1: {  	v62 =	vld.idx.msk [tilespmem:v0+s16+$0x0 ss:$0x1], $0xffff;
	[tilespmem:s18+$0xFFFF9F40 ss:$0x81] =	vst.msk $0xffff, v57  }
0xc2: {  	v63 =	vld.idx.msk [tilespmem:v0+s14+$0x70 ss:$0x1], $0xffff;
	[tilespmem:s18+$0xFFFFA750 ss:$0x81] =	vst.msk $0xffff, v58  }
0xc3: {  	[tilespmem:s19+$0xFFFFAF60 ss:$0x81] =	vst.msk $0xffff, v59  }
0xc4: {  	[tilespmem:s19+$0xFFFFB770 ss:$0x81] =	vst.msk $0xffff, v60  }
0xc5: {  	[tilespmem:s19+$0xFFFFBF80 ss:$0x81] =	vst.msk $0xffff, v61  }
0xc6: {  	[tilespmem:s19+$0xFFFFC790 ss:$0x81] =	vst.msk $0xffff, v62  }
0xc7: {  	[tilespmem:s19+$0x0 ss:$0x81] =	vst.msk $0xffff, v63  }
.LBB1_9:
.Ltmp11:
0xc8: {  	(pc) =	sbr.rel @p2 .LBB1_12-.Ltmp11, $1  }
0xc9: {  	_ =	sdelay $0x3  }
0xca: {  	s14 =	sand.u32 $0x380, s3;
	s5 =	sadd.s32 s5, s1  }
0xcb: {  	s15 =	smov.u32 s28;
	s16 =	smov.u32 s24;
	s14 =	sadd.s32 s14, s31  }
.LBB1_11:
0xcc: {  	s7 =	sand.u32 $0x3C00, s15  }
0xcd: {  	s7 =	sadd.s32 s3, s7  }
0xce: {  	s7 =	sand.u32 $0x3C00, s7  }
0xcf: {  	s8 =	sand.u32 $0x70, s16;
	s7 =	sadd.s32 s7, s14  }
0xd0: {  	s16 =	sadd.s32 $0x10, s16;
	s7 =	sadd.s32 s8, s7  }
0xd1: {  	p3 =	slt.s32 s16, s23;
	v0 =	vld [tilespmem:s7+$0x0]  }
.Ltmp12:
0xd2: {  	_ = 	snop;
	(pc) =	sbr.rel @p3 .LBB1_11-.Ltmp12, $2  }
0xd3: {  	_ =	sdelay $0x2  }
0xd4: {  	s15 =	sadd.s32 $0x80, s15;
	[tilespmem:s5+$0x0 ss:$0x81] =	vst.msk $0xffff, v0;
	s5 =	sadd.s32 $0x810, s5  }
.Ltmp13:
0xd5: {  	_ = 	snop;
	(pc) =	sbr.rel .LBB1_12-.Ltmp13, $1  }
0xd6: {  	_ =	sdelay $0x3  }
.LBB1_16:
0xd7: {  	_ =	sfence.sel $0x180000  }
0xd8: {  	s0 =	simm.s32 $0x1;
	[bflag:$0x0] =	sbarrier.arrive $0xFFFF  }
0xd9: {  	s30 =	simm.s32 $0x2;
	[sflag:s0] =	ssyncpa.u1 $0x1  }
0xda: {  	[sflag:s30] =	ssyncpa.u1 $0x1  }
0xdb: {  	_ =	strace $0x9000004D  }
0xdc: {  	s31 =	stileid.u32;
	[bflag:$0x2] =	sbarrier.arrive $0xFFFF  }
0xdd: {  	p0 =	sne.s32 s31, $0x0;
	s0 =	rddreg [dreg:$0x2]  }
0xde: {  	s0 =	sadd.s32 @!p0 $0x100000, s0  }
0xdf: {  	[sflag:s0] =	ssyncadd.tile.s32 @!p0 $0x1;
	_ =	shalt  }
.Lfunc_end1:
_tile_overlayer_lowered:
.L_overlay_start_2:
0xe0: {  	(tag) =	ssettag $0x2  }
0xe1: {  	s0 =	rddreg [dreg:$0x0];
	s2 =	stileid.u32  }
0xe2: {  	s1 =	rddreg [dreg:$0x1];
	p0 =	sne.s32 s2, $0x0  }
0xe3: {  	s3 =	rddreg [dreg:$0x2];
	[bflag:$0x3] =	sbarrier.arrive $0xFFFF;
	s2 =	simm.s32 @!p0 $0x1C01  }
0xe4: {  	[timem:s3], [sflag:s2] =	dma.local @!p0 [hbm:s0], s1  }
0xe5: {  	s0 =	simm.s32 @!p0 $0x1  }
0xe6: {  	_ =	swait.ge @!p0 [sflag:s0], s1  }
0xe7: {  	s1 =	ssub.s32 @!p0 $0x0, s1;
	[sflag:s0] =	ssyncset.done @!p0 $0x0  }
0xe8: {  	[sflag:s0] =	ssyncadd.s32 @!p0 s1  }
0xe9: {  	[bflag:$0x3] =	sbarrier.arrive $0xFFFF  }
0xea: {  	_ =	shalt  }

</sc_bundles>
